<compile_context>
chip_gen: v7x
topology: tpu7x:2x2x1
jax: 0.10.2.dev20260603
libtpu: 0.0.44.dev20260713+nightly
codegen_flags: <defaults>
</compile_context>

<pallas_src>
import functools

import jax
import jax.numpy as jnp
from jax import lax
from jax.experimental import pallas as pl
from jax.experimental.pallas import tpu as pltpu
from jax.experimental.pallas import tpu_sc as plsc

LANES = 16


def _build_encoder(batch, seq, vocab, dim):
    info = plsc.get_sparse_core_info()
    nc, ns = info.num_cores, info.num_subcores
    nw = nc * ns
    dblk = dim // 8
    bblk = batch // 128
    ut = 512
    uj = ut // 128
    upos = batch // ut
    n_units = seq * upos
    upw = n_units // nw
    gsz = 128
    n_gather = ut // gsz

    mesh = plsc.VectorSubcoreMesh(core_axis_name="c", subcore_axis_name="s")

    @functools.partial(
        pl.kernel,
        mesh=mesh,
        compiler_params=pltpu.CompilerParams(
            use_tc_tiling_on_sc=False, needs_layout_passes=False),
        out_type=jax.ShapeDtypeStruct((seq, dblk * bblk * 8, 128), jnp.float32),
        scratch_types=[
            pltpu.VMEM((ut,), jnp.int32),
            pltpu.VMEM((ut,), jnp.int32),
            pltpu.VMEM((ut, dim), jnp.float32),
            pltpu.VMEM((ut, dim), jnp.float32),
            pltpu.VMEM((dblk * uj * 8, 129), jnp.float32),
            pltpu.VMEM((dblk * uj * 8, 129), jnp.float32),
            pltpu.VMEM((seq, dim), jnp.float32),
            pltpu.SemaphoreType.DMA,
            pltpu.SemaphoreType.DMA,
            pltpu.SemaphoreType.DMA,
            pltpu.SemaphoreType.DMA,
            pltpu.SemaphoreType.DMA,
            pltpu.SemaphoreType.DMA,
        ],
    )
    def enc(ids_hbm, table_hbm, pos_hbm, out_hbm,
            idx_v0, idx_v1, rows_v0, rows_v1, ob0, ob1, pos_v,
            sg0, sg1, si0, si1, so0, so1):
        idx_v = (idx_v0, idx_v1)
        rows_v = (rows_v0, rows_v1)
        obuf = (ob0, ob1)
        sg = (sg0, sg1)
        si = (si0, si1)
        so = (so0, so1)
        wid = lax.axis_index("s") * nc + lax.axis_index("c")
        u0 = wid * upw
        pltpu.sync_copy(pos_hbm, pos_v)

        def unit_su(n):
            u = u0 + n
            return u // upos, (u % upos) * uj

        def ids_src(n):
            s, j0 = unit_su(n)
            return ids_hbm.at[s, pl.ds(j0 * 128, ut)]

        def out_pairs(p, n):
            s, j0 = unit_su(n)
            return [
                (obuf[p].at[pl.ds(i * 8 * uj, 8 * uj), pl.ds(0, 128)],
                 out_hbm.at[s, pl.ds(i * bblk * 8 + j0 * 8, 8 * uj)])
                for i in range(dblk)
            ]

        def fire_out(p, n):
            for src, dst in out_pairs(p, n):
                pltpu.async_copy(src, dst, so[p])

        def wait_out(p, n):
            for src, dst in out_pairs(p, n):
                pltpu.make_async_copy(src, dst, so[p]).wait()

        def fire_gathers(p):
            for k in range(n_gather):
                pltpu.async_copy(
                    table_hbm.at[idx_v[p].at[pl.ds(k * gsz, gsz)]],
                    rows_v[p].at[pl.ds(k * gsz, gsz)],
                    sg[p],
                )

        def wait_gathers(p):
            for k in range(n_gather):
                pltpu.make_async_copy(
                    table_hbm.at[idx_v[p].at[pl.ds(k * gsz, gsz)]],
                    rows_v[p].at[pl.ds(k * gsz, gsz)],
                    sg[p],
                ).wait()

        iota = lax.iota(jnp.int32, LANES)
        row_pat = (iota // 8) * (8 * uj) + (iota % 8)

        def transpose_add(p, n):
            s, _ = unit_su(n)
            pv0 = pos_v[s, pl.ds(0, LANES)]
            pv1 = pos_v[s, pl.ds(LANES, LANES)]

            @plsc.parallel_loop(0, ut, unroll=16)
            def body(t):
                row0 = row_pat + jnp.full((LANES,), (t // 128) * 8, jnp.int32)
                row1 = row0 + 2 * (8 * uj)
                col = jnp.full((LANES,), t % 128, jnp.int32)
                v0 = rows_v[p][t, pl.ds(0, LANES)] + pv0
                v1 = rows_v[p][t, pl.ds(LANES, LANES)] + pv1
                plsc.store_scatter(obuf[p], [row0, col], v0)
                plsc.store_scatter(obuf[p], [row1, col], v1)

        pltpu.sync_copy(ids_src(0), idx_v[0])
        fire_gathers(0)
        pltpu.async_copy(ids_src(1), idx_v[1], si[1])

        def step(n, p):
            wait_gathers(p)

            @pl.when(n + 1 < upw)
            def _():
                pltpu.make_async_copy(ids_src(n + 1), idx_v[1 - p], si[1 - p]).wait()
                fire_gathers(1 - p)

            @pl.when(n + 2 < upw)
            def _():
                pltpu.async_copy(ids_src(n + 2), idx_v[p], si[p])

            @pl.when(n >= 2)
            def _():
                wait_out(p, n - 2)

            transpose_add(p, n)
            fire_out(p, n)

        def pair(m, carry):
            step(2 * m, 0)
            step(2 * m + 1, 1)
            return carry

        lax.fori_loop(0, upw // 2, pair, 0)
        wait_out(0, upw - 2)
        wait_out(1, upw - 1)

    return enc


def kernel(token_ids, token_table, pos_table):
    batch, seq = token_ids.shape
    vocab, dim = token_table.shape
    enc = _build_encoder(batch, seq, vocab, dim)
    ids_t = jnp.transpose(token_ids)
    out3 = enc(ids_t, token_table, pos_table)
    out5 = out3.reshape(seq, dim // 8, batch // 128, 8, 128)
    out = jnp.transpose(out5, (2, 4, 0, 1, 3)).reshape(batch, seq, dim)
    return out

# --- scband reference (transcript-rebuilt; emitter-appended) ---
"""Pipeline reference for scband-text-token-encoder-71141838291107 (READ-ONLY COPY).

The authoritative reference and input builder live on the scoring server;
editing this copy changes nothing except your own understanding.
"""

import jax, jax.numpy as jnp
import numpy as np

VOCAB = 1000000
EMBED_DIM = 32
MAX_LEN = 200
BATCH = 4096
SEQ = 200

def setup_inputs(seed: int = 0) -> dict:
    key = jax.random.key(seed)
    k1, k2, k3 = jax.random.split(key, 3)
    token_ids = jax.random.randint(k1, (BATCH, SEQ), 0, VOCAB, dtype=jnp.int64 if jax.config.jax_enable_x64 else jnp.int32).astype(jnp.int32)
    token_table = jax.random.normal(k2, (VOCAB, EMBED_DIM), dtype=jnp.float32) * 0.02
    pos_table = jax.random.normal(k3, (MAX_LEN, EMBED_DIM), dtype=jnp.float32) * 0.02
    return {"token_ids": token_ids, "token_table": token_table, "pos_table": pos_table}

def reference(token_ids, token_table, pos_table):
    batch_size, seq_len = token_ids.shape
    token_embeds = jnp.take(token_table, token_ids, axis=0)  # [B, S, D]
    positions = jnp.arange(seq_len)[None, :]                  # [1, S]
    position_embeds = jnp.take(pos_table, positions, axis=0)  # [1, S, D]
    embeddings = token_embeds + position_embeds
    return embeddings

if __name__ == "__main__":
    import jax
    _d = setup_inputs()
    print(jax.jit(kernel)(*tuple(_d.values())))

</pallas_src>

<mosaic_0001>
#map = affine_map<(d0, d1) -> (0, 0)>
#map1 = affine_map<(d0, d1) -> (0, 0, 0)>
module attributes {stable_mosaic.version = 14 : i64} {
  func.func @enc(%arg0: i32, %arg1: i32, %arg2: memref<200x4096xi32, #tpu.memory_space<hbm>>, %arg3: memref<1000000x32xf32, #tpu.memory_space<hbm>>, %arg4: memref<200x32xf32, #tpu.memory_space<hbm>>, %arg5: memref<200x1024x128xf32, #tpu.memory_space<hbm>>, %arg6: memref<512xi32, #tpu.memory_space<vmem>>, %arg7: memref<512xi32, #tpu.memory_space<vmem>>, %arg8: memref<512x32xf32, #tpu.memory_space<vmem>>, %arg9: memref<512x32xf32, #tpu.memory_space<vmem>>, %arg10: memref<128x129xf32, #tpu.memory_space<vmem>>, %arg11: memref<128x129xf32, #tpu.memory_space<vmem>>, %arg12: memref<200x32xf32, #tpu.memory_space<vmem>>, %arg13: memref<!tpu.dma_semaphore, #tpu.memory_space<semaphore_mem>>, %arg14: memref<!tpu.dma_semaphore, #tpu.memory_space<semaphore_mem>>, %arg15: memref<!tpu.dma_semaphore, #tpu.memory_space<semaphore_mem>>, %arg16: memref<!tpu.dma_semaphore, #tpu.memory_space<semaphore_mem>>, %arg17: memref<!tpu.dma_semaphore, #tpu.memory_space<semaphore_mem>>, %arg18: memref<!tpu.dma_semaphore, #tpu.memory_space<semaphore_mem>>) attributes {dimension_semantics = [#tpu.dimension_semantics<core_parallel>, #tpu.dimension_semantics<subcore_parallel>], iteration_bounds = array<i64: 2, 16>, scalar_prefetch = 0 : i64, scratch_operands = 13 : i64, tpu.core_type = #tpu.core_type<sc_vector_subcore>, window_params = [{transform_indices = #map}, {transform_indices = #map}, {transform_indices = #map}, {transform_indices = #map1}]} {
    %mul3A = arith.constant 2 : i32
    %mul3A_0 = arith.muli %arg1, %mul3A : i32
    %add3A = arith.addi %mul3A_0, %arg0 : i32
    %mul3A_1 = arith.constant 50 : i32
    %mul3A_2 = arith.muli %add3A, %mul3A_1 : i32
    "tpu.region"() ({
      %run_scoped3A = tpu.sem_alloc : memref<!tpu.dma_semaphore, #tpu.memory_space<semaphore_mem>>
      tpu.enqueue_dma source(%arg4 : memref<200x32xf32, #tpu.memory_space<hbm>>) target(%arg12 : memref<200x32xf32, #tpu.memory_space<vmem>>) target_semaphore(%run_scoped3A : memref<!tpu.dma_semaphore, #tpu.memory_space<semaphore_mem>>)
      tpu.wait_dma2 semaphore(%run_scoped3A : memref<!tpu.dma_semaphore, #tpu.memory_space<semaphore_mem>>) src(%arg4 : memref<200x32xf32, #tpu.memory_space<hbm>>) dst(%arg12 : memref<200x32xf32, #tpu.memory_space<vmem>>)
      tpu.yield
    }) : () -> ()
    %iota3A = tpu.iota {dimensions = array<i32: 0>} : vector<16xi32>
    %jit3A = arith.constant 8 : i32
    %div3A = vector.broadcast %jit3A : i32 to vector<16xi32>
    %div3A_3 = arith.divsi %iota3A, %div3A : vector<16xi32>
    %sign3A = arith.constant 0 : i32
    %sign3A_4 = vector.broadcast %sign3A : i32 to vector<16xi32>
    %sign3A_5 = arith.cmpi sgt, %iota3A, %sign3A_4 : vector<16xi32>
    %sign3A_6 = arith.extui %sign3A_5 : vector<16xi1> to vector<16xi32>
    %sign3A_7 = arith.constant 0 : i32
    %sign3A_8 = vector.broadcast %sign3A_7 : i32 to vector<16xi32>
    %sign3A_9 = arith.cmpi slt, %iota3A, %sign3A_8 : vector<16xi32>
    %sign3A_10 = arith.extui %sign3A_9 : vector<16xi1> to vector<16xi32>
    %sign3A_11 = arith.subi %sign3A_6, %sign3A_10 : vector<16xi32>
    %sign3A_12 = arith.constant 0 : i32
    %sign3A_13 = arith.cmpi sgt, %jit3A, %sign3A_12 : i32
    %sign3A_14 = arith.extui %sign3A_13 : i1 to i32
    %sign3A_15 = arith.constant 0 : i32
    %sign3A_16 = arith.cmpi slt, %jit3A, %sign3A_15 : i32
    %sign3A_17 = arith.extui %sign3A_16 : i1 to i32
    %sign3A_18 = arith.subi %sign3A_14, %sign3A_17 : i32
    %ne3A = vector.broadcast %sign3A_18 : i32 to vector<16xi32>
    %ne3A_19 = arith.cmpi ne, %sign3A_11, %ne3A : vector<16xi32>
    %rem3A = vector.broadcast %jit3A : i32 to vector<16xi32>
    %rem3A_20 = arith.remsi %iota3A, %rem3A : vector<16xi32>
    %ne3A_21 = arith.constant 0 : i32
    %ne3A_22 = vector.broadcast %ne3A_21 : i32 to vector<16xi32>
    %ne3A_23 = arith.cmpi ne, %rem3A_20, %ne3A_22 : vector<16xi32>
    %and3A = arith.andi %ne3A_19, %ne3A_23 : vector<16xi1>
    %sub3A = arith.constant 1 : i32
    %sub3A_24 = vector.broadcast %sub3A : i32 to vector<16xi32>
    %sub3A_25 = arith.subi %div3A_3, %sub3A_24 : vector<16xi32>
    %select_n3A = arith.select %and3A, %sub3A_25, %div3A_3 : vector<16xi1>, vector<16xi32>
    %mul3A_26 = arith.constant 32 : i32
    %mul3A_27 = vector.broadcast %mul3A_26 : i32 to vector<16xi32>
    %mul3A_28 = arith.muli %select_n3A, %mul3A_27 : vector<16xi32>
    %jit3A_29 = arith.constant 8 : i32
    %eq3A = arith.constant 0 : i32
    %eq3A_30 = arith.cmpi eq, %jit3A_29, %eq3A : i32
    %jit3A_31 = arith.constant 1 : i32
    %select_n3A_32 = arith.select %eq3A_30, %jit3A_31, %jit3A_29 : i32
    %rem3A_33 = vector.broadcast %select_n3A_32 : i32 to vector<16xi32>
    %rem3A_34 = arith.remsi %iota3A, %rem3A_33 : vector<16xi32>
    %ne3A_35 = arith.constant 0 : i32
    %ne3A_36 = vector.broadcast %ne3A_35 : i32 to vector<16xi32>
    %ne3A_37 = arith.cmpi ne, %rem3A_34, %ne3A_36 : vector<16xi32>
    %lt3A = arith.constant 0 : i32
    %lt3A_38 = vector.broadcast %lt3A : i32 to vector<16xi32>
    %lt3A_39 = arith.cmpi slt, %rem3A_34, %lt3A_38 : vector<16xi32>
    %lt3A_40 = arith.constant 0 : i32
    %lt3A_41 = arith.cmpi slt, %select_n3A_32, %lt3A_40 : i32
    %ne3A_42 = vector.broadcast %lt3A_41 : i1 to vector<16xi1>
    %ne3A_43 = vector.broadcast %ne3A_42 : vector<16xi1> to vector<16xi1>
    %ne3A_44 = arith.xori %lt3A_39, %ne3A_43 : vector<16xi1>
    %and3A_45 = arith.andi %ne3A_44, %ne3A_37 : vector<16xi1>
    %add3A_46 = vector.broadcast %select_n3A_32 : i32 to vector<16xi32>
    %add3A_47 = arith.addi %rem3A_34, %add3A_46 : vector<16xi32>
    %select_n3A_48 = arith.select %and3A_45, %add3A_47, %rem3A_34 : vector<16xi1>, vector<16xi32>
    %add3A_49 = arith.addi %mul3A_28, %select_n3A_48 : vector<16xi32>
    %add3A_50 = arith.constant 0 : i32
    %add3A_51 = arith.addi %mul3A_2, %add3A_50 : i32
    %jit3A_52 = arith.constant 8 : i32
    %div3A_53 = arith.divsi %add3A_51, %jit3A_52 : i32
    %sign3A_54 = arith.constant 0 : i32
    %sign3A_55 = arith.cmpi sgt, %add3A_51, %sign3A_54 : i32
    %sign3A_56 = arith.extui %sign3A_55 : i1 to i32
    %sign3A_57 = arith.constant 0 : i32
    %sign3A_58 = arith.cmpi slt, %add3A_51, %sign3A_57 : i32
    %sign3A_59 = arith.extui %sign3A_58 : i1 to i32
    %sign3A_60 = arith.subi %sign3A_56, %sign3A_59 : i32
    %sign3A_61 = arith.constant 0 : i32
    %sign3A_62 = arith.cmpi sgt, %jit3A_52, %sign3A_61 : i32
    %sign3A_63 = arith.extui %sign3A_62 : i1 to i32
    %sign3A_64 = arith.constant 0 : i32
    %sign3A_65 = arith.cmpi slt, %jit3A_52, %sign3A_64 : i32
    %sign3A_66 = arith.extui %sign3A_65 : i1 to i32
    %sign3A_67 = arith.subi %sign3A_63, %sign3A_66 : i32
    %ne3A_68 = arith.cmpi ne, %sign3A_60, %sign3A_67 : i32
    %rem3A_69 = arith.remsi %add3A_51, %jit3A_52 : i32
    %ne3A_70 = arith.constant 0 : i32
    %ne3A_71 = arith.cmpi ne, %rem3A_69, %ne3A_70 : i32
    %and3A_72 = arith.andi %ne3A_68, %ne3A_71 : i1
    %sub3A_73 = arith.constant 1 : i32
    %sub3A_74 = arith.subi %div3A_53, %sub3A_73 : i32
    %select_n3A_75 = arith.select %and3A_72, %sub3A_74, %div3A_53 : i32
    %jit3A_76 = arith.constant 8 : i32
    %eq3A_77 = arith.constant 0 : i32
    %eq3A_78 = arith.cmpi eq, %jit3A_76, %eq3A_77 : i32
    %jit3A_79 = arith.constant 1 : i32
    %select_n3A_80 = arith.select %eq3A_78, %jit3A_79, %jit3A_76 : i32
    %rem3A_81 = arith.remsi %add3A_51, %select_n3A_80 : i32
    %ne3A_82 = arith.constant 0 : i32
    %ne3A_83 = arith.cmpi ne, %rem3A_81, %ne3A_82 : i32
    %lt3A_84 = arith.constant 0 : i32
    %lt3A_85 = arith.cmpi slt, %rem3A_81, %lt3A_84 : i32
    %lt3A_86 = arith.constant 0 : i32
    %lt3A_87 = arith.cmpi slt, %select_n3A_80, %lt3A_86 : i32
    %ne3A_88 = arith.xori %lt3A_85, %lt3A_87 : i1
    %and3A_89 = arith.andi %ne3A_88, %ne3A_83 : i1
    %add3A_90 = arith.addi %rem3A_81, %select_n3A_80 : i32
    %select_n3A_91 = arith.select %and3A_89, %add3A_90, %rem3A_81 : i32
    %mul3A_92 = arith.constant 4 : i32
    %mul3A_93 = arith.muli %select_n3A_91, %mul3A_92 : i32
    %mul3A_94 = arith.constant 128 : i32
    %mul3A_95 = arith.muli %mul3A_93, %mul3A_94 : i32
    "tpu.region"() ({
      %run_scoped3A = tpu.sem_alloc : memref<!tpu.dma_semaphore, #tpu.memory_space<semaphore_mem>>
      %dma_start3A_397 = tpu.memref_slice %arg2[%select_n3A_75, %mul3A_95] : memref<200x4096xi32, #tpu.memory_space<hbm>> -> memref<1x512xi32, #tpu.memory_space<hbm>>
      %dma_start3A_398 = tpu.memref_squeeze %dma_start3A_397 : memref<1x512xi32, #tpu.memory_space<hbm>> -> memref<512xi32, #tpu.memory_space<hbm>>
      %dma_start3A_399 = tpu.memref_slice %arg2[%select_n3A_75, %mul3A_95] : memref<200x4096xi32, #tpu.memory_space<hbm>> -> memref<1x512xi32, #tpu.memory_space<hbm>>
      %dma_start3A_400 = tpu.memref_squeeze %dma_start3A_399 : memref<1x512xi32, #tpu.memory_space<hbm>> -> memref<512xi32, #tpu.memory_space<hbm>>
      tpu.enqueue_dma source(%dma_start3A_400 : memref<512xi32, #tpu.memory_space<hbm>>) target(%arg6 : memref<512xi32, #tpu.memory_space<vmem>>) target_semaphore(%run_scoped3A : memref<!tpu.dma_semaphore, #tpu.memory_space<semaphore_mem>>)
      %dma_wait3A_401 = tpu.memref_slice %arg2[%select_n3A_75, %mul3A_95] : memref<200x4096xi32, #tpu.memory_space<hbm>> -> memref<1x512xi32, #tpu.memory_space<hbm>>
      %dma_wait3A_402 = tpu.memref_squeeze %dma_wait3A_401 : memref<1x512xi32, #tpu.memory_space<hbm>> -> memref<512xi32, #tpu.memory_space<hbm>>
      %dma_wait3A_403 = tpu.memref_slice %arg2[%select_n3A_75, %mul3A_95] : memref<200x4096xi32, #tpu.memory_space<hbm>> -> memref<1x512xi32, #tpu.memory_space<hbm>>
      %dma_wait3A_404 = tpu.memref_squeeze %dma_wait3A_403 : memref<1x512xi32, #tpu.memory_space<hbm>> -> memref<512xi32, #tpu.memory_space<hbm>>
      tpu.wait_dma2 semaphore(%run_scoped3A : memref<!tpu.dma_semaphore, #tpu.memory_space<semaphore_mem>>) src(%dma_wait3A_404 : memref<512xi32, #tpu.memory_space<hbm>>) dst(%arg6 : memref<512xi32, #tpu.memory_space<vmem>>)
      tpu.yield
    }) : () -> ()
    %dma_start3A = arith.constant 0 : i32
    %dma_start3A_96 = arith.constant 0 : i32
    %dma_start3A_97 = tpu.memref_slice %arg8[%dma_start3A, %dma_start3A_96] : memref<512x32xf32, #tpu.memory_space<vmem>> -> memref<128x32xf32, #tpu.memory_space<vmem>>
    %dma_start3A_98 = arith.constant 0 : i32
    %dma_start3A_99 = tpu.memref_slice %arg6[%dma_start3A_98] : memref<512xi32, #tpu.memory_space<vmem>> -> memref<128xi32, #tpu.memory_space<vmem>>
    %dma_start3A_100 = arith.constant 0 : i32
    %dma_start3A_101 = arith.constant 0 : i32
    %dma_start3A_102 = tpu.memref_slice %arg3[%dma_start3A_100, %dma_start3A_101] : memref<1000000x32xf32, #tpu.memory_space<hbm>> -> memref<1000000x32xf32, #tpu.memory_space<hbm>>
    tpu.enqueue_indirect_dma source(%dma_start3A_102 : memref<1000000x32xf32, #tpu.memory_space<hbm>>) target(%dma_start3A_97 : memref<128x32xf32, #tpu.memory_space<vmem>>) offsets(%dma_start3A_99 : memref<128xi32, #tpu.memory_space<vmem>>) semaphore(%arg13 : memref<!tpu.dma_semaphore, #tpu.memory_space<semaphore_mem>>)
    %dma_start3A_103 = arith.constant 128 : i32
    %dma_start3A_104 = arith.constant 0 : i32
    %dma_start3A_105 = tpu.memref_slice %arg8[%dma_start3A_103, %dma_start3A_104] : memref<512x32xf32, #tpu.memory_space<vmem>> -> memref<128x32xf32, #tpu.memory_space<vmem>>
    %dma_start3A_106 = arith.constant 128 : i32
    %dma_start3A_107 = tpu.memref_slice %arg6[%dma_start3A_106] : memref<512xi32, #tpu.memory_space<vmem>> -> memref<128xi32, #tpu.memory_space<vmem>>
    %dma_start3A_108 = arith.constant 0 : i32
    %dma_start3A_109 = arith.constant 0 : i32
    %dma_start3A_110 = tpu.memref_slice %arg3[%dma_start3A_108, %dma_start3A_109] : memref<1000000x32xf32, #tpu.memory_space<hbm>> -> memref<1000000x32xf32, #tpu.memory_space<hbm>>
    tpu.enqueue_indirect_dma source(%dma_start3A_110 : memref<1000000x32xf32, #tpu.memory_space<hbm>>) target(%dma_start3A_105 : memref<128x32xf32, #tpu.memory_space<vmem>>) offsets(%dma_start3A_107 : memref<128xi32, #tpu.memory_space<vmem>>) semaphore(%arg13 : memref<!tpu.dma_semaphore, #tpu.memory_space<semaphore_mem>>)
    %dma_start3A_111 = arith.constant 256 : i32
    %dma_start3A_112 = arith.constant 0 : i32
    %dma_start3A_113 = tpu.memref_slice %arg8[%dma_start3A_111, %dma_start3A_112] : memref<512x32xf32, #tpu.memory_space<vmem>> -> memref<128x32xf32, #tpu.memory_space<vmem>>
    %dma_start3A_114 = arith.constant 256 : i32
    %dma_start3A_115 = tpu.memref_slice %arg6[%dma_start3A_114] : memref<512xi32, #tpu.memory_space<vmem>> -> memref<128xi32, #tpu.memory_space<vmem>>
    %dma_start3A_116 = arith.constant 0 : i32
    %dma_start3A_117 = arith.constant 0 : i32
    %dma_start3A_118 = tpu.memref_slice %arg3[%dma_start3A_116, %dma_start3A_117] : memref<1000000x32xf32, #tpu.memory_space<hbm>> -> memref<1000000x32xf32, #tpu.memory_space<hbm>>
    tpu.enqueue_indirect_dma source(%dma_start3A_118 : memref<1000000x32xf32, #tpu.memory_space<hbm>>) target(%dma_start3A_113 : memref<128x32xf32, #tpu.memory_space<vmem>>) offsets(%dma_start3A_115 : memref<128xi32, #tpu.memory_space<vmem>>) semaphore(%arg13 : memref<!tpu.dma_semaphore, #tpu.memory_space<semaphore_mem>>)
    %dma_start3A_119 = arith.constant 384 : i32
    %dma_start3A_120 = arith.constant 0 : i32
    %dma_start3A_121 = tpu.memref_slice %arg8[%dma_start3A_119, %dma_start3A_120] : memref<512x32xf32, #tpu.memory_space<vmem>> -> memref<128x32xf32, #tpu.memory_space<vmem>>
    %dma_start3A_122 = arith.constant 384 : i32
    %dma_start3A_123 = tpu.memref_slice %arg6[%dma_start3A_122] : memref<512xi32, #tpu.memory_space<vmem>> -> memref<128xi32, #tpu.memory_space<vmem>>
    %dma_start3A_124 = arith.constant 0 : i32
    %dma_start3A_125 = arith.constant 0 : i32
    %dma_start3A_126 = tpu.memref_slice %arg3[%dma_start3A_124, %dma_start3A_125] : memref<1000000x32xf32, #tpu.memory_space<hbm>> -> memref<1000000x32xf32, #tpu.memory_space<hbm>>
    tpu.enqueue_indirect_dma source(%dma_start3A_126 : memref<1000000x32xf32, #tpu.memory_space<hbm>>) target(%dma_start3A_121 : memref<128x32xf32, #tpu.memory_space<vmem>>) offsets(%dma_start3A_123 : memref<128xi32, #tpu.memory_space<vmem>>) semaphore(%arg13 : memref<!tpu.dma_semaphore, #tpu.memory_space<semaphore_mem>>)
    %add3A_127 = arith.constant 1 : i32
    %add3A_128 = arith.addi %mul3A_2, %add3A_127 : i32
    %jit3A_129 = arith.constant 8 : i32
    %div3A_130 = arith.divsi %add3A_128, %jit3A_129 : i32
    %sign3A_131 = arith.constant 0 : i32
    %sign3A_132 = arith.cmpi sgt, %add3A_128, %sign3A_131 : i32
    %sign3A_133 = arith.extui %sign3A_132 : i1 to i32
    %sign3A_134 = arith.constant 0 : i32
    %sign3A_135 = arith.cmpi slt, %add3A_128, %sign3A_134 : i32
    %sign3A_136 = arith.extui %sign3A_135 : i1 to i32
    %sign3A_137 = arith.subi %sign3A_133, %sign3A_136 : i32
    %sign3A_138 = arith.constant 0 : i32
    %sign3A_139 = arith.cmpi sgt, %jit3A_129, %sign3A_138 : i32
    %sign3A_140 = arith.extui %sign3A_139 : i1 to i32
    %sign3A_141 = arith.constant 0 : i32
    %sign3A_142 = arith.cmpi slt, %jit3A_129, %sign3A_141 : i32
    %sign3A_143 = arith.extui %sign3A_142 : i1 to i32
    %sign3A_144 = arith.subi %sign3A_140, %sign3A_143 : i32
    %ne3A_145 = arith.cmpi ne, %sign3A_137, %sign3A_144 : i32
    %rem3A_146 = arith.remsi %add3A_128, %jit3A_129 : i32
    %ne3A_147 = arith.constant 0 : i32
    %ne3A_148 = arith.cmpi ne, %rem3A_146, %ne3A_147 : i32
    %and3A_149 = arith.andi %ne3A_145, %ne3A_148 : i1
    %sub3A_150 = arith.constant 1 : i32
    %sub3A_151 = arith.subi %div3A_130, %sub3A_150 : i32
    %select_n3A_152 = arith.select %and3A_149, %sub3A_151, %div3A_130 : i32
    %jit3A_153 = arith.constant 8 : i32
    %eq3A_154 = arith.constant 0 : i32
    %eq3A_155 = arith.cmpi eq, %jit3A_153, %eq3A_154 : i32
    %jit3A_156 = arith.constant 1 : i32
    %select_n3A_157 = arith.select %eq3A_155, %jit3A_156, %jit3A_153 : i32
    %rem3A_158 = arith.remsi %add3A_128, %select_n3A_157 : i32
    %ne3A_159 = arith.constant 0 : i32
    %ne3A_160 = arith.cmpi ne, %rem3A_158, %ne3A_159 : i32
    %lt3A_161 = arith.constant 0 : i32
    %lt3A_162 = arith.cmpi slt, %rem3A_158, %lt3A_161 : i32
    %lt3A_163 = arith.constant 0 : i32
    %lt3A_164 = arith.cmpi slt, %select_n3A_157, %lt3A_163 : i32
    %ne3A_165 = arith.xori %lt3A_162, %lt3A_164 : i1
    %and3A_166 = arith.andi %ne3A_165, %ne3A_160 : i1
    %add3A_167 = arith.addi %rem3A_158, %select_n3A_157 : i32
    %select_n3A_168 = arith.select %and3A_166, %add3A_167, %rem3A_158 : i32
    %mul3A_169 = arith.constant 4 : i32
    %mul3A_170 = arith.muli %select_n3A_168, %mul3A_169 : i32
    %mul3A_171 = arith.constant 128 : i32
    %mul3A_172 = arith.muli %mul3A_170, %mul3A_171 : i32
    %dma_start3A_173 = tpu.memref_slice %arg2[%select_n3A_152, %mul3A_172] : memref<200x4096xi32, #tpu.memory_space<hbm>> -> memref<1x512xi32, #tpu.memory_space<hbm>>
    %dma_start3A_174 = tpu.memref_squeeze %dma_start3A_173 : memref<1x512xi32, #tpu.memory_space<hbm>> -> memref<512xi32, #tpu.memory_space<hbm>>
    %dma_start3A_175 = tpu.memref_slice %arg2[%select_n3A_152, %mul3A_172] : memref<200x4096xi32, #tpu.memory_space<hbm>> -> memref<1x512xi32, #tpu.memory_space<hbm>>
    %dma_start3A_176 = tpu.memref_squeeze %dma_start3A_175 : memref<1x512xi32, #tpu.memory_space<hbm>> -> memref<512xi32, #tpu.memory_space<hbm>>
    tpu.enqueue_dma source(%dma_start3A_176 : memref<512xi32, #tpu.memory_space<hbm>>) target(%arg7 : memref<512xi32, #tpu.memory_space<vmem>>) target_semaphore(%arg16 : memref<!tpu.dma_semaphore, #tpu.memory_space<semaphore_mem>>)
    %scan3A = arith.constant 0 : i32
    %scan3A_177 = arith.constant 0 : i32
    %scan3A_178 = arith.constant 25 : i32
    %scan3A_179 = arith.addi %scan3A_177, %scan3A_178 : i32
    %scan3A_180 = arith.constant 1 : i32
    scf.for %scan3A_397 = %scan3A_177 to %scan3A_179 step %scan3A_180  : i32 {
      %mul3A_398 = arith.constant 2 : i32
      %mul3A_399 = arith.muli %mul3A_398, %scan3A_397 : i32
      %dma_wait3A_400 = arith.constant 0 : i32
      %dma_wait3A_401 = arith.constant 0 : i32
      %dma_wait3A_402 = tpu.memref_slice %arg8[%dma_wait3A_400, %dma_wait3A_401] : memref<512x32xf32, #tpu.memory_space<vmem>> -> memref<128x32xf32, #tpu.memory_space<vmem>>
      %dma_wait3A_403 = arith.constant 0 : i32
      %dma_wait3A_404 = tpu.memref_slice %arg6[%dma_wait3A_403] : memref<512xi32, #tpu.memory_space<vmem>> -> memref<128xi32, #tpu.memory_space<vmem>>
      %dma_wait3A_405 = arith.constant 0 : i32
      %dma_wait3A_406 = arith.constant 0 : i32
      %dma_wait3A_407 = tpu.memref_slice %arg3[%dma_wait3A_405, %dma_wait3A_406] : memref<1000000x32xf32, #tpu.memory_space<hbm>> -> memref<1000000x32xf32, #tpu.memory_space<hbm>>
      tpu.wait_indirect_dma semaphore(%arg13 : memref<!tpu.dma_semaphore, #tpu.memory_space<semaphore_mem>>) src(%dma_wait3A_407 : memref<1000000x32xf32, #tpu.memory_space<hbm>>) dst(%dma_wait3A_402 : memref<128x32xf32, #tpu.memory_space<vmem>>)
      %dma_wait3A_408 = arith.constant 128 : i32
      %dma_wait3A_409 = arith.constant 0 : i32
      %dma_wait3A_410 = tpu.memref_slice %arg8[%dma_wait3A_408, %dma_wait3A_409] : memref<512x32xf32, #tpu.memory_space<vmem>> -> memref<128x32xf32, #tpu.memory_space<vmem>>
      %dma_wait3A_411 = arith.constant 128 : i32
      %dma_wait3A_412 = tpu.memref_slice %arg6[%dma_wait3A_411] : memref<512xi32, #tpu.memory_space<vmem>> -> memref<128xi32, #tpu.memory_space<vmem>>
      %dma_wait3A_413 = arith.constant 0 : i32
      %dma_wait3A_414 = arith.constant 0 : i32
      %dma_wait3A_415 = tpu.memref_slice %arg3[%dma_wait3A_413, %dma_wait3A_414] : memref<1000000x32xf32, #tpu.memory_space<hbm>> -> memref<1000000x32xf32, #tpu.memory_space<hbm>>
      tpu.wait_indirect_dma semaphore(%arg13 : memref<!tpu.dma_semaphore, #tpu.memory_space<semaphore_mem>>) src(%dma_wait3A_415 : memref<1000000x32xf32, #tpu.memory_space<hbm>>) dst(%dma_wait3A_410 : memref<128x32xf32, #tpu.memory_space<vmem>>)
      %dma_wait3A_416 = arith.constant 256 : i32
      %dma_wait3A_417 = arith.constant 0 : i32
      %dma_wait3A_418 = tpu.memref_slice %arg8[%dma_wait3A_416, %dma_wait3A_417] : memref<512x32xf32, #tpu.memory_space<vmem>> -> memref<128x32xf32, #tpu.memory_space<vmem>>
      %dma_wait3A_419 = arith.constant 256 : i32
      %dma_wait3A_420 = tpu.memref_slice %arg6[%dma_wait3A_419] : memref<512xi32, #tpu.memory_space<vmem>> -> memref<128xi32, #tpu.memory_space<vmem>>
      %dma_wait3A_421 = arith.constant 0 : i32
      %dma_wait3A_422 = arith.constant 0 : i32
      %dma_wait3A_423 = tpu.memref_slice %arg3[%dma_wait3A_421, %dma_wait3A_422] : memref<1000000x32xf32, #tpu.memory_space<hbm>> -> memref<1000000x32xf32, #tpu.memory_space<hbm>>
      tpu.wait_indirect_dma semaphore(%arg13 : memref<!tpu.dma_semaphore, #tpu.memory_space<semaphore_mem>>) src(%dma_wait3A_423 : memref<1000000x32xf32, #tpu.memory_space<hbm>>) dst(%dma_wait3A_418 : memref<128x32xf32, #tpu.memory_space<vmem>>)
      %dma_wait3A_424 = arith.constant 384 : i32
      %dma_wait3A_425 = arith.constant 0 : i32
      %dma_wait3A_426 = tpu.memref_slice %arg8[%dma_wait3A_424, %dma_wait3A_425] : memref<512x32xf32, #tpu.memory_space<vmem>> -> memref<128x32xf32, #tpu.memory_space<vmem>>
      %dma_wait3A_427 = arith.constant 384 : i32
      %dma_wait3A_428 = tpu.memref_slice %arg6[%dma_wait3A_427] : memref<512xi32, #tpu.memory_space<vmem>> -> memref<128xi32, #tpu.memory_space<vmem>>
      %dma_wait3A_429 = arith.constant 0 : i32
      %dma_wait3A_430 = arith.constant 0 : i32
      %dma_wait3A_431 = tpu.memref_slice %arg3[%dma_wait3A_429, %dma_wait3A_430] : memref<1000000x32xf32, #tpu.memory_space<hbm>> -> memref<1000000x32xf32, #tpu.memory_space<hbm>>
      tpu.wait_indirect_dma semaphore(%arg13 : memref<!tpu.dma_semaphore, #tpu.memory_space<semaphore_mem>>) src(%dma_wait3A_431 : memref<1000000x32xf32, #tpu.memory_space<hbm>>) dst(%dma_wait3A_426 : memref<128x32xf32, #tpu.memory_space<vmem>>)
      %add3A_432 = arith.constant 1 : i32
      %add3A_433 = arith.addi %mul3A_399, %add3A_432 : i32
      %lt3A_434 = arith.constant 50 : i32
      %lt3A_435 = arith.cmpi slt, %add3A_433, %lt3A_434 : i32
      %convert_element_type3A = arith.extui %lt3A_435 : i1 to i32
      %cond3A = arith.constant 0 : i32
      %cond3A_436 = arith.cmpi ne, %convert_element_type3A, %cond3A : i32
      scf.if %cond3A_436 {
        %add3A_819 = arith.constant 1 : i32
        %add3A_820 = arith.addi %mul3A_399, %add3A_819 : i32
        %add3A_821 = arith.addi %mul3A_2, %add3A_820 : i32
        %jit3A_822 = arith.constant 8 : i32
        %div3A_823 = arith.divsi %add3A_821, %jit3A_822 : i32
        %sign3A_824 = arith.constant 0 : i32
        %sign3A_825 = arith.cmpi sgt, %add3A_821, %sign3A_824 : i32
        %sign3A_826 = arith.extui %sign3A_825 : i1 to i32
        %sign3A_827 = arith.constant 0 : i32
        %sign3A_828 = arith.cmpi slt, %add3A_821, %sign3A_827 : i32
        %sign3A_829 = arith.extui %sign3A_828 : i1 to i32
        %sign3A_830 = arith.subi %sign3A_826, %sign3A_829 : i32
        %sign3A_831 = arith.constant 0 : i32
        %sign3A_832 = arith.cmpi sgt, %jit3A_822, %sign3A_831 : i32
        %sign3A_833 = arith.extui %sign3A_832 : i1 to i32
        %sign3A_834 = arith.constant 0 : i32
        %sign3A_835 = arith.cmpi slt, %jit3A_822, %sign3A_834 : i32
        %sign3A_836 = arith.extui %sign3A_835 : i1 to i32
        %sign3A_837 = arith.subi %sign3A_833, %sign3A_836 : i32
        %ne3A_838 = arith.cmpi ne, %sign3A_830, %sign3A_837 : i32
        %rem3A_839 = arith.remsi %add3A_821, %jit3A_822 : i32
        %ne3A_840 = arith.constant 0 : i32
        %ne3A_841 = arith.cmpi ne, %rem3A_839, %ne3A_840 : i32
        %and3A_842 = arith.andi %ne3A_838, %ne3A_841 : i1
        %sub3A_843 = arith.constant 1 : i32
        %sub3A_844 = arith.subi %div3A_823, %sub3A_843 : i32
        %select_n3A_845 = arith.select %and3A_842, %sub3A_844, %div3A_823 : i32
        %jit3A_846 = arith.constant 8 : i32
        %eq3A_847 = arith.constant 0 : i32
        %eq3A_848 = arith.cmpi eq, %jit3A_846, %eq3A_847 : i32
        %jit3A_849 = arith.constant 1 : i32
        %select_n3A_850 = arith.select %eq3A_848, %jit3A_849, %jit3A_846 : i32
        %rem3A_851 = arith.remsi %add3A_821, %select_n3A_850 : i32
        %ne3A_852 = arith.constant 0 : i32
        %ne3A_853 = arith.cmpi ne, %rem3A_851, %ne3A_852 : i32
        %lt3A_854 = arith.constant 0 : i32
        %lt3A_855 = arith.cmpi slt, %rem3A_851, %lt3A_854 : i32
        %lt3A_856 = arith.constant 0 : i32
        %lt3A_857 = arith.cmpi slt, %select_n3A_850, %lt3A_856 : i32
        %ne3A_858 = arith.xori %lt3A_855, %lt3A_857 : i1
        %and3A_859 = arith.andi %ne3A_858, %ne3A_853 : i1
        %add3A_860 = arith.addi %rem3A_851, %select_n3A_850 : i32
        %select_n3A_861 = arith.select %and3A_859, %add3A_860, %rem3A_851 : i32
        %mul3A_862 = arith.constant 4 : i32
        %mul3A_863 = arith.muli %select_n3A_861, %mul3A_862 : i32
        %mul3A_864 = arith.constant 128 : i32
        %mul3A_865 = arith.muli %mul3A_863, %mul3A_864 : i32
        %dma_wait3A_866 = tpu.memref_slice %arg2[%select_n3A_845, %mul3A_865] : memref<200x4096xi32, #tpu.memory_space<hbm>> -> memref<1x512xi32, #tpu.memory_space<hbm>>
        %dma_wait3A_867 = tpu.memref_squeeze %dma_wait3A_866 : memref<1x512xi32, #tpu.memory_space<hbm>> -> memref<512xi32, #tpu.memory_space<hbm>>
        %dma_wait3A_868 = tpu.memref_slice %arg2[%select_n3A_845, %mul3A_865] : memref<200x4096xi32, #tpu.memory_space<hbm>> -> memref<1x512xi32, #tpu.memory_space<hbm>>
        %dma_wait3A_869 = tpu.memref_squeeze %dma_wait3A_868 : memref<1x512xi32, #tpu.memory_space<hbm>> -> memref<512xi32, #tpu.memory_space<hbm>>
        tpu.wait_dma2 semaphore(%arg16 : memref<!tpu.dma_semaphore, #tpu.memory_space<semaphore_mem>>) src(%dma_wait3A_869 : memref<512xi32, #tpu.memory_space<hbm>>) dst(%arg7 : memref<512xi32, #tpu.memory_space<vmem>>)
        %dma_start3A_870 = arith.constant 0 : i32
        %dma_start3A_871 = arith.constant 0 : i32
        %dma_start3A_872 = tpu.memref_slice %arg9[%dma_start3A_870, %dma_start3A_871] : memref<512x32xf32, #tpu.memory_space<vmem>> -> memref<128x32xf32, #tpu.memory_space<vmem>>
        %dma_start3A_873 = arith.constant 0 : i32
        %dma_start3A_874 = tpu.memref_slice %arg7[%dma_start3A_873] : memref<512xi32, #tpu.memory_space<vmem>> -> memref<128xi32, #tpu.memory_space<vmem>>
        %dma_start3A_875 = arith.constant 0 : i32
        %dma_start3A_876 = arith.constant 0 : i32
        %dma_start3A_877 = tpu.memref_slice %arg3[%dma_start3A_875, %dma_start3A_876] : memref<1000000x32xf32, #tpu.memory_space<hbm>> -> memref<1000000x32xf32, #tpu.memory_space<hbm>>
        tpu.enqueue_indirect_dma source(%dma_start3A_877 : memref<1000000x32xf32, #tpu.memory_space<hbm>>) target(%dma_start3A_872 : memref<128x32xf32, #tpu.memory_space<vmem>>) offsets(%dma_start3A_874 : memref<128xi32, #tpu.memory_space<vmem>>) semaphore(%arg14 : memref<!tpu.dma_semaphore, #tpu.memory_space<semaphore_mem>>)
        %dma_start3A_878 = arith.constant 128 : i32
        %dma_start3A_879 = arith.constant 0 : i32
        %dma_start3A_880 = tpu.memref_slice %arg9[%dma_start3A_878, %dma_start3A_879] : memref<512x32xf32, #tpu.memory_space<vmem>> -> memref<128x32xf32, #tpu.memory_space<vmem>>
        %dma_start3A_881 = arith.constant 128 : i32
        %dma_start3A_882 = tpu.memref_slice %arg7[%dma_start3A_881] : memref<512xi32, #tpu.memory_space<vmem>> -> memref<128xi32, #tpu.memory_space<vmem>>
        %dma_start3A_883 = arith.constant 0 : i32
        %dma_start3A_884 = arith.constant 0 : i32
        %dma_start3A_885 = tpu.memref_slice %arg3[%dma_start3A_883, %dma_start3A_884] : memref<1000000x32xf32, #tpu.memory_space<hbm>> -> memref<1000000x32xf32, #tpu.memory_space<hbm>>
        tpu.enqueue_indirect_dma source(%dma_start3A_885 : memref<1000000x32xf32, #tpu.memory_space<hbm>>) target(%dma_start3A_880 : memref<128x32xf32, #tpu.memory_space<vmem>>) offsets(%dma_start3A_882 : memref<128xi32, #tpu.memory_space<vmem>>) semaphore(%arg14 : memref<!tpu.dma_semaphore, #tpu.memory_space<semaphore_mem>>)
        %dma_start3A_886 = arith.constant 256 : i32
        %dma_start3A_887 = arith.constant 0 : i32
        %dma_start3A_888 = tpu.memref_slice %arg9[%dma_start3A_886, %dma_start3A_887] : memref<512x32xf32, #tpu.memory_space<vmem>> -> memref<128x32xf32, #tpu.memory_space<vmem>>
        %dma_start3A_889 = arith.constant 256 : i32
        %dma_start3A_890 = tpu.memref_slice %arg7[%dma_start3A_889] : memref<512xi32, #tpu.memory_space<vmem>> -> memref<128xi32, #tpu.memory_space<vmem>>
        %dma_start3A_891 = arith.constant 0 : i32
        %dma_start3A_892 = arith.constant 0 : i32
        %dma_start3A_893 = tpu.memref_slice %arg3[%dma_start3A_891, %dma_start3A_892] : memref<1000000x32xf32, #tpu.memory_space<hbm>> -> memref<1000000x32xf32, #tpu.memory_space<hbm>>
        tpu.enqueue_indirect_dma source(%dma_start3A_893 : memref<1000000x32xf32, #tpu.memory_space<hbm>>) target(%dma_start3A_888 : memref<128x32xf32, #tpu.memory_space<vmem>>) offsets(%dma_start3A_890 : memref<128xi32, #tpu.memory_space<vmem>>) semaphore(%arg14 : memref<!tpu.dma_semaphore, #tpu.memory_space<semaphore_mem>>)
        %dma_start3A_894 = arith.constant 384 : i32
        %dma_start3A_895 = arith.constant 0 : i32
        %dma_start3A_896 = tpu.memref_slice %arg9[%dma_start3A_894, %dma_start3A_895] : memref<512x32xf32, #tpu.memory_space<vmem>> -> memref<128x32xf32, #tpu.memory_space<vmem>>
        %dma_start3A_897 = arith.constant 384 : i32
        %dma_start3A_898 = tpu.memref_slice %arg7[%dma_start3A_897] : memref<512xi32, #tpu.memory_space<vmem>> -> memref<128xi32, #tpu.memory_space<vmem>>
        %dma_start3A_899 = arith.constant 0 : i32
        %dma_start3A_900 = arith.constant 0 : i32
        %dma_start3A_901 = tpu.memref_slice %arg3[%dma_start3A_899, %dma_start3A_900] : memref<1000000x32xf32, #tpu.memory_space<hbm>> -> memref<1000000x32xf32, #tpu.memory_space<hbm>>
        tpu.enqueue_indirect_dma source(%dma_start3A_901 : memref<1000000x32xf32, #tpu.memory_space<hbm>>) target(%dma_start3A_896 : memref<128x32xf32, #tpu.memory_space<vmem>>) offsets(%dma_start3A_898 : memref<128xi32, #tpu.memory_space<vmem>>) semaphore(%arg14 : memref<!tpu.dma_semaphore, #tpu.memory_space<semaphore_mem>>)
      } else {
      }
      %add3A_437 = arith.constant 2 : i32
      %add3A_438 = arith.addi %mul3A_399, %add3A_437 : i32
      %lt3A_439 = arith.constant 50 : i32
      %lt3A_440 = arith.cmpi slt, %add3A_438, %lt3A_439 : i32
      %convert_element_type3A_441 = arith.extui %lt3A_440 : i1 to i32
      %cond3A_442 = arith.constant 0 : i32
      %cond3A_443 = arith.cmpi ne, %convert_element_type3A_441, %cond3A_442 : i32
      scf.if %cond3A_443 {
        %add3A_819 = arith.constant 2 : i32
        %add3A_820 = arith.addi %mul3A_399, %add3A_819 : i32
        %add3A_821 = arith.addi %mul3A_2, %add3A_820 : i32
        %jit3A_822 = arith.constant 8 : i32
        %div3A_823 = arith.divsi %add3A_821, %jit3A_822 : i32
        %sign3A_824 = arith.constant 0 : i32
        %sign3A_825 = arith.cmpi sgt, %add3A_821, %sign3A_824 : i32
        %sign3A_826 = arith.extui %sign3A_825 : i1 to i32
        %sign3A_827 = arith.constant 0 : i32
        %sign3A_828 = arith.cmpi slt, %add3A_821, %sign3A_827 : i32
        %sign3A_829 = arith.extui %sign3A_828 : i1 to i32
        %sign3A_830 = arith.subi %sign3A_826, %sign3A_829 : i32
        %sign3A_831 = arith.constant 0 : i32
        %sign3A_832 = arith.cmpi sgt, %jit3A_822, %sign3A_831 : i32
        %sign3A_833 = arith.extui %sign3A_832 : i1 to i32
        %sign3A_834 = arith.constant 0 : i32
        %sign3A_835 = arith.cmpi slt, %jit3A_822, %sign3A_834 : i32
        %sign3A_836 = arith.extui %sign3A_835 : i1 to i32
        %sign3A_837 = arith.subi %sign3A_833, %sign3A_836 : i32
        %ne3A_838 = arith.cmpi ne, %sign3A_830, %sign3A_837 : i32
        %rem3A_839 = arith.remsi %add3A_821, %jit3A_822 : i32
        %ne3A_840 = arith.constant 0 : i32
        %ne3A_841 = arith.cmpi ne, %rem3A_839, %ne3A_840 : i32
        %and3A_842 = arith.andi %ne3A_838, %ne3A_841 : i1
        %sub3A_843 = arith.constant 1 : i32
        %sub3A_844 = arith.subi %div3A_823, %sub3A_843 : i32
        %select_n3A_845 = arith.select %and3A_842, %sub3A_844, %div3A_823 : i32
        %jit3A_846 = arith.constant 8 : i32
        %eq3A_847 = arith.constant 0 : i32
        %eq3A_848 = arith.cmpi eq, %jit3A_846, %eq3A_847 : i32
        %jit3A_849 = arith.constant 1 : i32
        %select_n3A_850 = arith.select %eq3A_848, %jit3A_849, %jit3A_846 : i32
        %rem3A_851 = arith.remsi %add3A_821, %select_n3A_850 : i32
        %ne3A_852 = arith.constant 0 : i32
        %ne3A_853 = arith.cmpi ne, %rem3A_851, %ne3A_852 : i32
        %lt3A_854 = arith.constant 0 : i32
        %lt3A_855 = arith.cmpi slt, %rem3A_851, %lt3A_854 : i32
        %lt3A_856 = arith.constant 0 : i32
        %lt3A_857 = arith.cmpi slt, %select_n3A_850, %lt3A_856 : i32
        %ne3A_858 = arith.xori %lt3A_855, %lt3A_857 : i1
        %and3A_859 = arith.andi %ne3A_858, %ne3A_853 : i1
        %add3A_860 = arith.addi %rem3A_851, %select_n3A_850 : i32
        %select_n3A_861 = arith.select %and3A_859, %add3A_860, %rem3A_851 : i32
        %mul3A_862 = arith.constant 4 : i32
        %mul3A_863 = arith.muli %select_n3A_861, %mul3A_862 : i32
        %mul3A_864 = arith.constant 128 : i32
        %mul3A_865 = arith.muli %mul3A_863, %mul3A_864 : i32
        %dma_start3A_866 = tpu.memref_slice %arg2[%select_n3A_845, %mul3A_865] : memref<200x4096xi32, #tpu.memory_space<hbm>> -> memref<1x512xi32, #tpu.memory_space<hbm>>
        %dma_start3A_867 = tpu.memref_squeeze %dma_start3A_866 : memref<1x512xi32, #tpu.memory_space<hbm>> -> memref<512xi32, #tpu.memory_space<hbm>>
        %dma_start3A_868 = tpu.memref_slice %arg2[%select_n3A_845, %mul3A_865] : memref<200x4096xi32, #tpu.memory_space<hbm>> -> memref<1x512xi32, #tpu.memory_space<hbm>>
        %dma_start3A_869 = tpu.memref_squeeze %dma_start3A_868 : memref<1x512xi32, #tpu.memory_space<hbm>> -> memref<512xi32, #tpu.memory_space<hbm>>
        tpu.enqueue_dma source(%dma_start3A_869 : memref<512xi32, #tpu.memory_space<hbm>>) target(%arg6 : memref<512xi32, #tpu.memory_space<vmem>>) target_semaphore(%arg15 : memref<!tpu.dma_semaphore, #tpu.memory_space<semaphore_mem>>)
      } else {
      }
      %ge3A = arith.constant 2 : i32
      %ge3A_444 = arith.cmpi sge, %mul3A_399, %ge3A : i32
      %convert_element_type3A_445 = arith.extui %ge3A_444 : i1 to i32
      %cond3A_446 = arith.constant 0 : i32
      %cond3A_447 = arith.cmpi ne, %convert_element_type3A_445, %cond3A_446 : i32
      scf.if %cond3A_447 {
        %sub3A_819 = arith.constant 2 : i32
        %sub3A_820 = arith.subi %mul3A_399, %sub3A_819 : i32
        %add3A_821 = arith.addi %mul3A_2, %sub3A_820 : i32
        %jit3A_822 = arith.constant 8 : i32
        %div3A_823 = arith.divsi %add3A_821, %jit3A_822 : i32
        %sign3A_824 = arith.constant 0 : i32
        %sign3A_825 = arith.cmpi sgt, %add3A_821, %sign3A_824 : i32
        %sign3A_826 = arith.extui %sign3A_825 : i1 to i32
        %sign3A_827 = arith.constant 0 : i32
        %sign3A_828 = arith.cmpi slt, %add3A_821, %sign3A_827 : i32
        %sign3A_829 = arith.extui %sign3A_828 : i1 to i32
        %sign3A_830 = arith.subi %sign3A_826, %sign3A_829 : i32
        %sign3A_831 = arith.constant 0 : i32
        %sign3A_832 = arith.cmpi sgt, %jit3A_822, %sign3A_831 : i32
        %sign3A_833 = arith.extui %sign3A_832 : i1 to i32
        %sign3A_834 = arith.constant 0 : i32
        %sign3A_835 = arith.cmpi slt, %jit3A_822, %sign3A_834 : i32
        %sign3A_836 = arith.extui %sign3A_835 : i1 to i32
        %sign3A_837 = arith.subi %sign3A_833, %sign3A_836 : i32
        %ne3A_838 = arith.cmpi ne, %sign3A_830, %sign3A_837 : i32
        %rem3A_839 = arith.remsi %add3A_821, %jit3A_822 : i32
        %ne3A_840 = arith.constant 0 : i32
        %ne3A_841 = arith.cmpi ne, %rem3A_839, %ne3A_840 : i32
        %and3A_842 = arith.andi %ne3A_838, %ne3A_841 : i1
        %sub3A_843 = arith.constant 1 : i32
        %sub3A_844 = arith.subi %div3A_823, %sub3A_843 : i32
        %select_n3A_845 = arith.select %and3A_842, %sub3A_844, %div3A_823 : i32
        %jit3A_846 = arith.constant 8 : i32
        %eq3A_847 = arith.constant 0 : i32
        %eq3A_848 = arith.cmpi eq, %jit3A_846, %eq3A_847 : i32
        %jit3A_849 = arith.constant 1 : i32
        %select_n3A_850 = arith.select %eq3A_848, %jit3A_849, %jit3A_846 : i32
        %rem3A_851 = arith.remsi %add3A_821, %select_n3A_850 : i32
        %ne3A_852 = arith.constant 0 : i32
        %ne3A_853 = arith.cmpi ne, %rem3A_851, %ne3A_852 : i32
        %lt3A_854 = arith.constant 0 : i32
        %lt3A_855 = arith.cmpi slt, %rem3A_851, %lt3A_854 : i32
        %lt3A_856 = arith.constant 0 : i32
        %lt3A_857 = arith.cmpi slt, %select_n3A_850, %lt3A_856 : i32
        %ne3A_858 = arith.xori %lt3A_855, %lt3A_857 : i1
        %and3A_859 = arith.andi %ne3A_858, %ne3A_853 : i1
        %add3A_860 = arith.addi %rem3A_851, %select_n3A_850 : i32
        %select_n3A_861 = arith.select %and3A_859, %add3A_860, %rem3A_851 : i32
        %mul3A_862 = arith.constant 4 : i32
        %mul3A_863 = arith.muli %select_n3A_861, %mul3A_862 : i32
        %mul3A_864 = arith.constant 8 : i32
        %mul3A_865 = arith.muli %mul3A_863, %mul3A_864 : i32
        %add3A_866 = arith.constant 0 : i32
        %add3A_867 = arith.addi %add3A_866, %mul3A_865 : i32
        %mul3A_868 = arith.constant 8 : i32
        %mul3A_869 = arith.muli %mul3A_863, %mul3A_868 : i32
        %add3A_870 = arith.constant 256 : i32
        %add3A_871 = arith.addi %add3A_870, %mul3A_869 : i32
        %mul3A_872 = arith.constant 8 : i32
        %mul3A_873 = arith.muli %mul3A_863, %mul3A_872 : i32
        %add3A_874 = arith.constant 512 : i32
        %add3A_875 = arith.addi %add3A_874, %mul3A_873 : i32
        %mul3A_876 = arith.constant 8 : i32
        %mul3A_877 = arith.muli %mul3A_863, %mul3A_876 : i32
        %add3A_878 = arith.constant 768 : i32
        %add3A_879 = arith.addi %add3A_878, %mul3A_877 : i32
        %dma_wait3A_880 = arith.constant 0 : i32
        %dma_wait3A_881 = arith.constant 0 : i32
        %dma_wait3A_882 = tpu.memref_slice %arg10[%dma_wait3A_880, %dma_wait3A_881] : memref<128x129xf32, #tpu.memory_space<vmem>> -> memref<32x128xf32, #tpu.memory_space<vmem>>
        %dma_wait3A_883 = arith.constant 0 : i32
        %dma_wait3A_884 = tpu.memref_slice %arg5[%select_n3A_845, %add3A_867, %dma_wait3A_883] : memref<200x1024x128xf32, #tpu.memory_space<hbm>> -> memref<1x32x128xf32, #tpu.memory_space<hbm>>
        %dma_wait3A_885 = tpu.memref_squeeze %dma_wait3A_884 : memref<1x32x128xf32, #tpu.memory_space<hbm>> -> memref<32x128xf32, #tpu.memory_space<hbm>>
        %dma_wait3A_886 = arith.constant 0 : i32
        %dma_wait3A_887 = tpu.memref_slice %arg5[%select_n3A_845, %add3A_867, %dma_wait3A_886] : memref<200x1024x128xf32, #tpu.memory_space<hbm>> -> memref<1x32x128xf32, #tpu.memory_space<hbm>>
        %dma_wait3A_888 = tpu.memref_squeeze %dma_wait3A_887 : memref<1x32x128xf32, #tpu.memory_space<hbm>> -> memref<32x128xf32, #tpu.memory_space<hbm>>
        %dma_wait3A_889 = arith.constant 0 : i32
        %dma_wait3A_890 = arith.constant 0 : i32
        %dma_wait3A_891 = tpu.memref_slice %arg10[%dma_wait3A_889, %dma_wait3A_890] : memref<128x129xf32, #tpu.memory_space<vmem>> -> memref<32x128xf32, #tpu.memory_space<vmem>>
        tpu.wait_dma2 semaphore(%arg17 : memref<!tpu.dma_semaphore, #tpu.memory_space<semaphore_mem>>) src(%dma_wait3A_891 : memref<32x128xf32, #tpu.memory_space<vmem>>) dst(%dma_wait3A_888 : memref<32x128xf32, #tpu.memory_space<hbm>>)
        %dma_wait3A_892 = arith.constant 32 : i32
        %dma_wait3A_893 = arith.constant 0 : i32
        %dma_wait3A_894 = tpu.memref_slice %arg10[%dma_wait3A_892, %dma_wait3A_893] : memref<128x129xf32, #tpu.memory_space<vmem>> -> memref<32x128xf32, #tpu.memory_space<vmem>>
        %dma_wait3A_895 = arith.constant 0 : i32
        %dma_wait3A_896 = tpu.memref_slice %arg5[%select_n3A_845, %add3A_871, %dma_wait3A_895] : memref<200x1024x128xf32, #tpu.memory_space<hbm>> -> memref<1x32x128xf32, #tpu.memory_space<hbm>>
        %dma_wait3A_897 = tpu.memref_squeeze %dma_wait3A_896 : memref<1x32x128xf32, #tpu.memory_space<hbm>> -> memref<32x128xf32, #tpu.memory_space<hbm>>
        %dma_wait3A_898 = arith.constant 0 : i32
        %dma_wait3A_899 = tpu.memref_slice %arg5[%select_n3A_845, %add3A_871, %dma_wait3A_898] : memref<200x1024x128xf32, #tpu.memory_space<hbm>> -> memref<1x32x128xf32, #tpu.memory_space<hbm>>
        %dma_wait3A_900 = tpu.memref_squeeze %dma_wait3A_899 : memref<1x32x128xf32, #tpu.memory_space<hbm>> -> memref<32x128xf32, #tpu.memory_space<hbm>>
        %dma_wait3A_901 = arith.constant 32 : i32
        %dma_wait3A_902 = arith.constant 0 : i32
        %dma_wait3A_903 = tpu.memref_slice %arg10[%dma_wait3A_901, %dma_wait3A_902] : memref<128x129xf32, #tpu.memory_space<vmem>> -> memref<32x128xf32, #tpu.memory_space<vmem>>
        tpu.wait_dma2 semaphore(%arg17 : memref<!tpu.dma_semaphore, #tpu.memory_space<semaphore_mem>>) src(%dma_wait3A_903 : memref<32x128xf32, #tpu.memory_space<vmem>>) dst(%dma_wait3A_900 : memref<32x128xf32, #tpu.memory_space<hbm>>)
        %dma_wait3A_904 = arith.constant 64 : i32
        %dma_wait3A_905 = arith.constant 0 : i32
        %dma_wait3A_906 = tpu.memref_slice %arg10[%dma_wait3A_904, %dma_wait3A_905] : memref<128x129xf32, #tpu.memory_space<vmem>> -> memref<32x128xf32, #tpu.memory_space<vmem>>
        %dma_wait3A_907 = arith.constant 0 : i32
        %dma_wait3A_908 = tpu.memref_slice %arg5[%select_n3A_845, %add3A_875, %dma_wait3A_907] : memref<200x1024x128xf32, #tpu.memory_space<hbm>> -> memref<1x32x128xf32, #tpu.memory_space<hbm>>
        %dma_wait3A_909 = tpu.memref_squeeze %dma_wait3A_908 : memref<1x32x128xf32, #tpu.memory_space<hbm>> -> memref<32x128xf32, #tpu.memory_space<hbm>>
        %dma_wait3A_910 = arith.constant 0 : i32
        %dma_wait3A_911 = tpu.memref_slice %arg5[%select_n3A_845, %add3A_875, %dma_wait3A_910] : memref<200x1024x128xf32, #tpu.memory_space<hbm>> -> memref<1x32x128xf32, #tpu.memory_space<hbm>>
        %dma_wait3A_912 = tpu.memref_squeeze %dma_wait3A_911 : memref<1x32x128xf32, #tpu.memory_space<hbm>> -> memref<32x128xf32, #tpu.memory_space<hbm>>
        %dma_wait3A_913 = arith.constant 64 : i32
        %dma_wait3A_914 = arith.constant 0 : i32
        %dma_wait3A_915 = tpu.memref_slice %arg10[%dma_wait3A_913, %dma_wait3A_914] : memref<128x129xf32, #tpu.memory_space<vmem>> -> memref<32x128xf32, #tpu.memory_space<vmem>>
        tpu.wait_dma2 semaphore(%arg17 : memref<!tpu.dma_semaphore, #tpu.memory_space<semaphore_mem>>) src(%dma_wait3A_915 : memref<32x128xf32, #tpu.memory_space<vmem>>) dst(%dma_wait3A_912 : memref<32x128xf32, #tpu.memory_space<hbm>>)
        %dma_wait3A_916 = arith.constant 96 : i32
        %dma_wait3A_917 = arith.constant 0 : i32
        %dma_wait3A_918 = tpu.memref_slice %arg10[%dma_wait3A_916, %dma_wait3A_917] : memref<128x129xf32, #tpu.memory_space<vmem>> -> memref<32x128xf32, #tpu.memory_space<vmem>>
        %dma_wait3A_919 = arith.constant 0 : i32
        %dma_wait3A_920 = tpu.memref_slice %arg5[%select_n3A_845, %add3A_879, %dma_wait3A_919] : memref<200x1024x128xf32, #tpu.memory_space<hbm>> -> memref<1x32x128xf32, #tpu.memory_space<hbm>>
        %dma_wait3A_921 = tpu.memref_squeeze %dma_wait3A_920 : memref<1x32x128xf32, #tpu.memory_space<hbm>> -> memref<32x128xf32, #tpu.memory_space<hbm>>
        %dma_wait3A_922 = arith.constant 0 : i32
        %dma_wait3A_923 = tpu.memref_slice %arg5[%select_n3A_845, %add3A_879, %dma_wait3A_922] : memref<200x1024x128xf32, #tpu.memory_space<hbm>> -> memref<1x32x128xf32, #tpu.memory_space<hbm>>
        %dma_wait3A_924 = tpu.memref_squeeze %dma_wait3A_923 : memref<1x32x128xf32, #tpu.memory_space<hbm>> -> memref<32x128xf32, #tpu.memory_space<hbm>>
        %dma_wait3A_925 = arith.constant 96 : i32
        %dma_wait3A_926 = arith.constant 0 : i32
        %dma_wait3A_927 = tpu.memref_slice %arg10[%dma_wait3A_925, %dma_wait3A_926] : memref<128x129xf32, #tpu.memory_space<vmem>> -> memref<32x128xf32, #tpu.memory_space<vmem>>
        tpu.wait_dma2 semaphore(%arg17 : memref<!tpu.dma_semaphore, #tpu.memory_space<semaphore_mem>>) src(%dma_wait3A_927 : memref<32x128xf32, #tpu.memory_space<vmem>>) dst(%dma_wait3A_924 : memref<32x128xf32, #tpu.memory_space<hbm>>)
      } else {
      }
      %add3A_448 = arith.addi %mul3A_2, %mul3A_399 : i32
      %jit3A_449 = arith.constant 8 : i32
      %div3A_450 = arith.divsi %add3A_448, %jit3A_449 : i32
      %sign3A_451 = arith.constant 0 : i32
      %sign3A_452 = arith.cmpi sgt, %add3A_448, %sign3A_451 : i32
      %sign3A_453 = arith.extui %sign3A_452 : i1 to i32
      %sign3A_454 = arith.constant 0 : i32
      %sign3A_455 = arith.cmpi slt, %add3A_448, %sign3A_454 : i32
      %sign3A_456 = arith.extui %sign3A_455 : i1 to i32
      %sign3A_457 = arith.subi %sign3A_453, %sign3A_456 : i32
      %sign3A_458 = arith.constant 0 : i32
      %sign3A_459 = arith.cmpi sgt, %jit3A_449, %sign3A_458 : i32
      %sign3A_460 = arith.extui %sign3A_459 : i1 to i32
      %sign3A_461 = arith.constant 0 : i32
      %sign3A_462 = arith.cmpi slt, %jit3A_449, %sign3A_461 : i32
      %sign3A_463 = arith.extui %sign3A_462 : i1 to i32
      %sign3A_464 = arith.subi %sign3A_460, %sign3A_463 : i32
      %ne3A_465 = arith.cmpi ne, %sign3A_457, %sign3A_464 : i32
      %rem3A_466 = arith.remsi %add3A_448, %jit3A_449 : i32
      %ne3A_467 = arith.constant 0 : i32
      %ne3A_468 = arith.cmpi ne, %rem3A_466, %ne3A_467 : i32
      %and3A_469 = arith.andi %ne3A_465, %ne3A_468 : i1
      %sub3A_470 = arith.constant 1 : i32
      %sub3A_471 = arith.subi %div3A_450, %sub3A_470 : i32
      %select_n3A_472 = arith.select %and3A_469, %sub3A_471, %div3A_450 : i32
      %jit3A_473 = arith.constant 8 : i32
      %eq3A_474 = arith.constant 0 : i32
      %eq3A_475 = arith.cmpi eq, %jit3A_473, %eq3A_474 : i32
      %jit3A_476 = arith.constant 1 : i32
      %select_n3A_477 = arith.select %eq3A_475, %jit3A_476, %jit3A_473 : i32
      %rem3A_478 = arith.remsi %add3A_448, %select_n3A_477 : i32
      %ne3A_479 = arith.constant 0 : i32
      %ne3A_480 = arith.cmpi ne, %rem3A_478, %ne3A_479 : i32
      %lt3A_481 = arith.constant 0 : i32
      %lt3A_482 = arith.cmpi slt, %rem3A_478, %lt3A_481 : i32
      %lt3A_483 = arith.constant 0 : i32
      %lt3A_484 = arith.cmpi slt, %select_n3A_477, %lt3A_483 : i32
      %ne3A_485 = arith.xori %lt3A_482, %lt3A_484 : i1
      %and3A_486 = arith.andi %ne3A_485, %ne3A_480 : i1
      %add3A_487 = arith.addi %rem3A_478, %select_n3A_477 : i32
      %select_n3A_488 = arith.select %and3A_486, %add3A_487, %rem3A_478 : i32
      %mul3A_489 = arith.constant 4 : i32
      %mul3A_490 = arith.muli %select_n3A_488, %mul3A_489 : i32
      %get3A = arith.index_cast %select_n3A_472 : i32 to index
      %get3A_491 = arith.constant 0 : index
      %get3A_492 = tpu.vector_load %arg12[%get3A, %get3A_491] {strides = array<i32>} : memref<200x32xf32, #tpu.memory_space<vmem>>, vector<16xf32>,
      %get3A_493 = arith.index_cast %select_n3A_472 : i32 to index
      %get3A_494 = arith.constant 16 : index
      %get3A_495 = tpu.vector_load %arg12[%get3A_493, %get3A_494] {strides = array<i32>} : memref<200x32xf32, #tpu.memory_space<vmem>>, vector<16xf32>,
      %parallel_loop3A = arith.constant 0 : i32
      %parallel_loop3A_496 = arith.constant 512 : i32
      %parallel_loop3A_497 = arith.constant 1 : i32
      scf.for %parallel_loop3A_819 = %parallel_loop3A to %parallel_loop3A_496 step %parallel_loop3A_497  : i32 {
        %parallel_loop3A_820 = arith.constant 128 : i32
        %parallel_loop3A_821 = arith.divsi %parallel_loop3A_819, %parallel_loop3A_820 : i32
        %parallel_loop3A_822 = arith.constant 0 : i32
        %parallel_loop3A_823 = arith.cmpi sgt, %parallel_loop3A_819, %parallel_loop3A_822 : i32
        %parallel_loop3A_824 = arith.extui %parallel_loop3A_823 : i1 to i32
        %parallel_loop3A_825 = arith.constant 0 : i32
        %parallel_loop3A_826 = arith.cmpi slt, %parallel_loop3A_819, %parallel_loop3A_825 : i32
        %parallel_loop3A_827 = arith.extui %parallel_loop3A_826 : i1 to i32
        %parallel_loop3A_828 = arith.subi %parallel_loop3A_824, %parallel_loop3A_827 : i32
        %parallel_loop3A_829 = arith.constant 0 : i32
        %parallel_loop3A_830 = arith.cmpi sgt, %parallel_loop3A_820, %parallel_loop3A_829 : i32
        %parallel_loop3A_831 = arith.extui %parallel_loop3A_830 : i1 to i32
        %parallel_loop3A_832 = arith.constant 0 : i32
        %parallel_loop3A_833 = arith.cmpi slt, %parallel_loop3A_820, %parallel_loop3A_832 : i32
        %parallel_loop3A_834 = arith.extui %parallel_loop3A_833 : i1 to i32
        %parallel_loop3A_835 = arith.subi %parallel_loop3A_831, %parallel_loop3A_834 : i32
        %parallel_loop3A_836 = arith.cmpi ne, %parallel_loop3A_828, %parallel_loop3A_835 : i32
        %parallel_loop3A_837 = arith.remsi %parallel_loop3A_819, %parallel_loop3A_820 : i32
        %parallel_loop3A_838 = arith.constant 0 : i32
        %parallel_loop3A_839 = arith.cmpi ne, %parallel_loop3A_837, %parallel_loop3A_838 : i32
        %parallel_loop3A_840 = arith.andi %parallel_loop3A_836, %parallel_loop3A_839 : i1
        %parallel_loop3A_841 = arith.constant 1 : i32
        %parallel_loop3A_842 = arith.subi %parallel_loop3A_821, %parallel_loop3A_841 : i32
        %parallel_loop3A_843 = arith.select %parallel_loop3A_840, %parallel_loop3A_842, %parallel_loop3A_821 : i32
        %parallel_loop3A_844 = arith.constant 8 : i32
        %parallel_loop3A_845 = arith.muli %parallel_loop3A_843, %parallel_loop3A_844 : i32
        %parallel_loop3A_846 = vector.broadcast %parallel_loop3A_845 : i32 to vector<16xi32>
        %parallel_loop3A_847 = arith.addi %add3A_49, %parallel_loop3A_846 : vector<16xi32>
        %parallel_loop3A_848 = arith.constant 64 : i32
        %parallel_loop3A_849 = vector.broadcast %parallel_loop3A_848 : i32 to vector<16xi32>
        %parallel_loop3A_850 = arith.addi %parallel_loop3A_847, %parallel_loop3A_849 : vector<16xi32>
        %parallel_loop3A_851 = arith.constant 128 : i32
        %parallel_loop3A_852 = arith.constant 0 : i32
        %parallel_loop3A_853 = arith.cmpi eq, %parallel_loop3A_851, %parallel_loop3A_852 : i32
        %parallel_loop3A_854 = arith.constant 1 : i32
        %parallel_loop3A_855 = arith.select %parallel_loop3A_853, %parallel_loop3A_854, %parallel_loop3A_851 : i32
        %parallel_loop3A_856 = arith.remsi %parallel_loop3A_819, %parallel_loop3A_855 : i32
        %parallel_loop3A_857 = arith.constant 0 : i32
        %parallel_loop3A_858 = arith.cmpi ne, %parallel_loop3A_856, %parallel_loop3A_857 : i32
        %parallel_loop3A_859 = arith.constant 0 : i32
        %parallel_loop3A_860 = arith.cmpi slt, %parallel_loop3A_856, %parallel_loop3A_859 : i32
        %parallel_loop3A_861 = arith.constant 0 : i32
        %parallel_loop3A_862 = arith.cmpi slt, %parallel_loop3A_855, %parallel_loop3A_861 : i32
        %parallel_loop3A_863 = arith.xori %parallel_loop3A_860, %parallel_loop3A_862 : i1
        %parallel_loop3A_864 = arith.andi %parallel_loop3A_863, %parallel_loop3A_858 : i1
        %parallel_loop3A_865 = arith.addi %parallel_loop3A_856, %parallel_loop3A_855 : i32
        %parallel_loop3A_866 = arith.select %parallel_loop3A_864, %parallel_loop3A_865, %parallel_loop3A_856 : i32
        %parallel_loop3A_867 = vector.broadcast %parallel_loop3A_866 : i32 to vector<16xi32>
        %parallel_loop3A_868 = arith.index_cast %parallel_loop3A_819 : i32 to index
        %parallel_loop3A_869 = arith.constant 0 : index
        %parallel_loop3A_870 = tpu.vector_load %arg8[%parallel_loop3A_868, %parallel_loop3A_869] {strides = array<i32>} : memref<512x32xf32, #tpu.memory_space<vmem>>, vector<16xf32>,
        %parallel_loop3A_871 = arith.addf %parallel_loop3A_870, %get3A_492 : vector<16xf32>
        %parallel_loop3A_872 = arith.index_cast %parallel_loop3A_819 : i32 to index
        %parallel_loop3A_873 = arith.constant 16 : index
        %parallel_loop3A_874 = tpu.vector_load %arg8[%parallel_loop3A_872, %parallel_loop3A_873] {strides = array<i32>} : memref<512x32xf32, #tpu.memory_space<vmem>>, vector<16xf32>,
        %parallel_loop3A_875 = arith.addf %parallel_loop3A_874, %get3A_495 : vector<16xf32>
        tpu.vector_store_idx %arg10[%parallel_loop3A_847, %parallel_loop3A_867], %parallel_loop3A_871 : memref<128x129xf32, #tpu.memory_space<vmem>>[vector<16xi32>, vector<16xi32>], vector<16xf32>,
        tpu.vector_store_idx %arg10[%parallel_loop3A_850, %parallel_loop3A_867], %parallel_loop3A_875 : memref<128x129xf32, #tpu.memory_space<vmem>>[vector<16xi32>, vector<16xi32>], vector<16xf32>,
      } {sc.loop_unroll_factor = 16 : i64, sc.parallel_access}
      %add3A_498 = arith.addi %mul3A_2, %mul3A_399 : i32
      %jit3A_499 = arith.constant 8 : i32
      %div3A_500 = arith.divsi %add3A_498, %jit3A_499 : i32
      %sign3A_501 = arith.constant 0 : i32
      %sign3A_502 = arith.cmpi sgt, %add3A_498, %sign3A_501 : i32
      %sign3A_503 = arith.extui %sign3A_502 : i1 to i32
      %sign3A_504 = arith.constant 0 : i32
      %sign3A_505 = arith.cmpi slt, %add3A_498, %sign3A_504 : i32
      %sign3A_506 = arith.extui %sign3A_505 : i1 to i32
      %sign3A_507 = arith.subi %sign3A_503, %sign3A_506 : i32
      %sign3A_508 = arith.constant 0 : i32
      %sign3A_509 = arith.cmpi sgt, %jit3A_499, %sign3A_508 : i32
      %sign3A_510 = arith.extui %sign3A_509 : i1 to i32
      %sign3A_511 = arith.constant 0 : i32
      %sign3A_512 = arith.cmpi slt, %jit3A_499, %sign3A_511 : i32
      %sign3A_513 = arith.extui %sign3A_512 : i1 to i32
      %sign3A_514 = arith.subi %sign3A_510, %sign3A_513 : i32
      %ne3A_515 = arith.cmpi ne, %sign3A_507, %sign3A_514 : i32
      %rem3A_516 = arith.remsi %add3A_498, %jit3A_499 : i32
      %ne3A_517 = arith.constant 0 : i32
      %ne3A_518 = arith.cmpi ne, %rem3A_516, %ne3A_517 : i32
      %and3A_519 = arith.andi %ne3A_515, %ne3A_518 : i1
      %sub3A_520 = arith.constant 1 : i32
      %sub3A_521 = arith.subi %div3A_500, %sub3A_520 : i32
      %select_n3A_522 = arith.select %and3A_519, %sub3A_521, %div3A_500 : i32
      %jit3A_523 = arith.constant 8 : i32
      %eq3A_524 = arith.constant 0 : i32
      %eq3A_525 = arith.cmpi eq, %jit3A_523, %eq3A_524 : i32
      %jit3A_526 = arith.constant 1 : i32
      %select_n3A_527 = arith.select %eq3A_525, %jit3A_526, %jit3A_523 : i32
      %rem3A_528 = arith.remsi %add3A_498, %select_n3A_527 : i32
      %ne3A_529 = arith.constant 0 : i32
      %ne3A_530 = arith.cmpi ne, %rem3A_528, %ne3A_529 : i32
      %lt3A_531 = arith.constant 0 : i32
      %lt3A_532 = arith.cmpi slt, %rem3A_528, %lt3A_531 : i32
      %lt3A_533 = arith.constant 0 : i32
      %lt3A_534 = arith.cmpi slt, %select_n3A_527, %lt3A_533 : i32
      %ne3A_535 = arith.xori %lt3A_532, %lt3A_534 : i1
      %and3A_536 = arith.andi %ne3A_535, %ne3A_530 : i1
      %add3A_537 = arith.addi %rem3A_528, %select_n3A_527 : i32
      %select_n3A_538 = arith.select %and3A_536, %add3A_537, %rem3A_528 : i32
      %mul3A_539 = arith.constant 4 : i32
      %mul3A_540 = arith.muli %select_n3A_538, %mul3A_539 : i32
      %mul3A_541 = arith.constant 8 : i32
      %mul3A_542 = arith.muli %mul3A_540, %mul3A_541 : i32
      %add3A_543 = arith.constant 0 : i32
      %add3A_544 = arith.addi %add3A_543, %mul3A_542 : i32
      %mul3A_545 = arith.constant 8 : i32
      %mul3A_546 = arith.muli %mul3A_540, %mul3A_545 : i32
      %add3A_547 = arith.constant 256 : i32
      %add3A_548 = arith.addi %add3A_547, %mul3A_546 : i32
      %mul3A_549 = arith.constant 8 : i32
      %mul3A_550 = arith.muli %mul3A_540, %mul3A_549 : i32
      %add3A_551 = arith.constant 512 : i32
      %add3A_552 = arith.addi %add3A_551, %mul3A_550 : i32
      %mul3A_553 = arith.constant 8 : i32
      %mul3A_554 = arith.muli %mul3A_540, %mul3A_553 : i32
      %add3A_555 = arith.constant 768 : i32
      %add3A_556 = arith.addi %add3A_555, %mul3A_554 : i32
      %dma_start3A_557 = arith.constant 0 : i32
      %dma_start3A_558 = arith.constant 0 : i32
      %dma_start3A_559 = tpu.memref_slice %arg10[%dma_start3A_557, %dma_start3A_558] : memref<128x129xf32, #tpu.memory_space<vmem>> -> memref<32x128xf32, #tpu.memory_space<vmem>>
      %dma_start3A_560 = arith.constant 0 : i32
      %dma_start3A_561 = tpu.memref_slice %arg5[%select_n3A_522, %add3A_544, %dma_start3A_560] : memref<200x1024x128xf32, #tpu.memory_space<hbm>> -> memref<1x32x128xf32, #tpu.memory_space<hbm>>
      %dma_start3A_562 = tpu.memref_squeeze %dma_start3A_561 : memref<1x32x128xf32, #tpu.memory_space<hbm>> -> memref<32x128xf32, #tpu.memory_space<hbm>>
      %dma_start3A_563 = arith.constant 0 : i32
      %dma_start3A_564 = tpu.memref_slice %arg5[%select_n3A_522, %add3A_544, %dma_start3A_563] : memref<200x1024x128xf32, #tpu.memory_space<hbm>> -> memref<1x32x128xf32, #tpu.memory_space<hbm>>
      %dma_start3A_565 = tpu.memref_squeeze %dma_start3A_564 : memref<1x32x128xf32, #tpu.memory_space<hbm>> -> memref<32x128xf32, #tpu.memory_space<hbm>>
      %dma_start3A_566 = arith.constant 0 : i32
      %dma_start3A_567 = arith.constant 0 : i32
      %dma_start3A_568 = tpu.memref_slice %arg10[%dma_start3A_566, %dma_start3A_567] : memref<128x129xf32, #tpu.memory_space<vmem>> -> memref<32x128xf32, #tpu.memory_space<vmem>>
      tpu.enqueue_dma source(%dma_start3A_568 : memref<32x128xf32, #tpu.memory_space<vmem>>) target(%dma_start3A_565 : memref<32x128xf32, #tpu.memory_space<hbm>>) target_semaphore(%arg17 : memref<!tpu.dma_semaphore, #tpu.memory_space<semaphore_mem>>)
      %dma_start3A_569 = arith.constant 32 : i32
      %dma_start3A_570 = arith.constant 0 : i32
      %dma_start3A_571 = tpu.memref_slice %arg10[%dma_start3A_569, %dma_start3A_570] : memref<128x129xf32, #tpu.memory_space<vmem>> -> memref<32x128xf32, #tpu.memory_space<vmem>>
      %dma_start3A_572 = arith.constant 0 : i32
      %dma_start3A_573 = tpu.memref_slice %arg5[%select_n3A_522, %add3A_548, %dma_start3A_572] : memref<200x1024x128xf32, #tpu.memory_space<hbm>> -> memref<1x32x128xf32, #tpu.memory_space<hbm>>
      %dma_start3A_574 = tpu.memref_squeeze %dma_start3A_573 : memref<1x32x128xf32, #tpu.memory_space<hbm>> -> memref<32x128xf32, #tpu.memory_space<hbm>>
      %dma_start3A_575 = arith.constant 0 : i32
      %dma_start3A_576 = tpu.memref_slice %arg5[%select_n3A_522, %add3A_548, %dma_start3A_575] : memref<200x1024x128xf32, #tpu.memory_space<hbm>> -> memref<1x32x128xf32, #tpu.memory_space<hbm>>
      %dma_start3A_577 = tpu.memref_squeeze %dma_start3A_576 : memref<1x32x128xf32, #tpu.memory_space<hbm>> -> memref<32x128xf32, #tpu.memory_space<hbm>>
      %dma_start3A_578 = arith.constant 32 : i32
      %dma_start3A_579 = arith.constant 0 : i32
      %dma_start3A_580 = tpu.memref_slice %arg10[%dma_start3A_578, %dma_start3A_579] : memref<128x129xf32, #tpu.memory_space<vmem>> -> memref<32x128xf32, #tpu.memory_space<vmem>>
      tpu.enqueue_dma source(%dma_start3A_580 : memref<32x128xf32, #tpu.memory_space<vmem>>) target(%dma_start3A_577 : memref<32x128xf32, #tpu.memory_space<hbm>>) target_semaphore(%arg17 : memref<!tpu.dma_semaphore, #tpu.memory_space<semaphore_mem>>)
      %dma_start3A_581 = arith.constant 64 : i32
      %dma_start3A_582 = arith.constant 0 : i32
      %dma_start3A_583 = tpu.memref_slice %arg10[%dma_start3A_581, %dma_start3A_582] : memref<128x129xf32, #tpu.memory_space<vmem>> -> memref<32x128xf32, #tpu.memory_space<vmem>>
      %dma_start3A_584 = arith.constant 0 : i32
      %dma_start3A_585 = tpu.memref_slice %arg5[%select_n3A_522, %add3A_552, %dma_start3A_584] : memref<200x1024x128xf32, #tpu.memory_space<hbm>> -> memref<1x32x128xf32, #tpu.memory_space<hbm>>
      %dma_start3A_586 = tpu.memref_squeeze %dma_start3A_585 : memref<1x32x128xf32, #tpu.memory_space<hbm>> -> memref<32x128xf32, #tpu.memory_space<hbm>>
      %dma_start3A_587 = arith.constant 0 : i32
      %dma_start3A_588 = tpu.memref_slice %arg5[%select_n3A_522, %add3A_552, %dma_start3A_587] : memref<200x1024x128xf32, #tpu.memory_space<hbm>> -> memref<1x32x128xf32, #tpu.memory_space<hbm>>
      %dma_start3A_589 = tpu.memref_squeeze %dma_start3A_588 : memref<1x32x128xf32, #tpu.memory_space<hbm>> -> memref<32x128xf32, #tpu.memory_space<hbm>>
      %dma_start3A_590 = arith.constant 64 : i32
      %dma_start3A_591 = arith.constant 0 : i32
      %dma_start3A_592 = tpu.memref_slice %arg10[%dma_start3A_590, %dma_start3A_591] : memref<128x129xf32, #tpu.memory_space<vmem>> -> memref<32x128xf32, #tpu.memory_space<vmem>>
      tpu.enqueue_dma source(%dma_start3A_592 : memref<32x128xf32, #tpu.memory_space<vmem>>) target(%dma_start3A_589 : memref<32x128xf32, #tpu.memory_space<hbm>>) target_semaphore(%arg17 : memref<!tpu.dma_semaphore, #tpu.memory_space<semaphore_mem>>)
      %dma_start3A_593 = arith.constant 96 : i32
      %dma_start3A_594 = arith.constant 0 : i32
      %dma_start3A_595 = tpu.memref_slice %arg10[%dma_start3A_593, %dma_start3A_594] : memref<128x129xf32, #tpu.memory_space<vmem>> -> memref<32x128xf32, #tpu.memory_space<vmem>>
      %dma_start3A_596 = arith.constant 0 : i32
      %dma_start3A_597 = tpu.memref_slice %arg5[%select_n3A_522, %add3A_556, %dma_start3A_596] : memref<200x1024x128xf32, #tpu.memory_space<hbm>> -> memref<1x32x128xf32, #tpu.memory_space<hbm>>
      %dma_start3A_598 = tpu.memref_squeeze %dma_start3A_597 : memref<1x32x128xf32, #tpu.memory_space<hbm>> -> memref<32x128xf32, #tpu.memory_space<hbm>>
      %dma_start3A_599 = arith.constant 0 : i32
      %dma_start3A_600 = tpu.memref_slice %arg5[%select_n3A_522, %add3A_556, %dma_start3A_599] : memref<200x1024x128xf32, #tpu.memory_space<hbm>> -> memref<1x32x128xf32, #tpu.memory_space<hbm>>
      %dma_start3A_601 = tpu.memref_squeeze %dma_start3A_600 : memref<1x32x128xf32, #tpu.memory_space<hbm>> -> memref<32x128xf32, #tpu.memory_space<hbm>>
      %dma_start3A_602 = arith.constant 96 : i32
      %dma_start3A_603 = arith.constant 0 : i32
      %dma_start3A_604 = tpu.memref_slice %arg10[%dma_start3A_602, %dma_start3A_603] : memref<128x129xf32, #tpu.memory_space<vmem>> -> memref<32x128xf32, #tpu.memory_space<vmem>>
      tpu.enqueue_dma source(%dma_start3A_604 : memref<32x128xf32, #tpu.memory_space<vmem>>) target(%dma_start3A_601 : memref<32x128xf32, #tpu.memory_space<hbm>>) target_semaphore(%arg17 : memref<!tpu.dma_semaphore, #tpu.memory_space<semaphore_mem>>)
      %mul3A_605 = arith.constant 2 : i32
      %mul3A_606 = arith.muli %mul3A_605, %scan3A_397 : i32
      %add3A_607 = arith.constant 1 : i32
      %add3A_608 = arith.addi %mul3A_606, %add3A_607 : i32
      %dma_wait3A_609 = arith.constant 0 : i32
      %dma_wait3A_610 = arith.constant 0 : i32
      %dma_wait3A_611 = tpu.memref_slice %arg9[%dma_wait3A_609, %dma_wait3A_610] : memref<512x32xf32, #tpu.memory_space<vmem>> -> memref<128x32xf32, #tpu.memory_space<vmem>>
      %dma_wait3A_612 = arith.constant 0 : i32
      %dma_wait3A_613 = tpu.memref_slice %arg7[%dma_wait3A_612] : memref<512xi32, #tpu.memory_space<vmem>> -> memref<128xi32, #tpu.memory_space<vmem>>
      %dma_wait3A_614 = arith.constant 0 : i32
      %dma_wait3A_615 = arith.constant 0 : i32
      %dma_wait3A_616 = tpu.memref_slice %arg3[%dma_wait3A_614, %dma_wait3A_615] : memref<1000000x32xf32, #tpu.memory_space<hbm>> -> memref<1000000x32xf32, #tpu.memory_space<hbm>>
      tpu.wait_indirect_dma semaphore(%arg14 : memref<!tpu.dma_semaphore, #tpu.memory_space<semaphore_mem>>) src(%dma_wait3A_616 : memref<1000000x32xf32, #tpu.memory_space<hbm>>) dst(%dma_wait3A_611 : memref<128x32xf32, #tpu.memory_space<vmem>>)
      %dma_wait3A_617 = arith.constant 128 : i32
      %dma_wait3A_618 = arith.constant 0 : i32
      %dma_wait3A_619 = tpu.memref_slice %arg9[%dma_wait3A_617, %dma_wait3A_618] : memref<512x32xf32, #tpu.memory_space<vmem>> -> memref<128x32xf32, #tpu.memory_space<vmem>>
      %dma_wait3A_620 = arith.constant 128 : i32
      %dma_wait3A_621 = tpu.memref_slice %arg7[%dma_wait3A_620] : memref<512xi32, #tpu.memory_space<vmem>> -> memref<128xi32, #tpu.memory_space<vmem>>
      %dma_wait3A_622 = arith.constant 0 : i32
      %dma_wait3A_623 = arith.constant 0 : i32
      %dma_wait3A_624 = tpu.memref_slice %arg3[%dma_wait3A_622, %dma_wait3A_623] : memref<1000000x32xf32, #tpu.memory_space<hbm>> -> memref<1000000x32xf32, #tpu.memory_space<hbm>>
      tpu.wait_indirect_dma semaphore(%arg14 : memref<!tpu.dma_semaphore, #tpu.memory_space<semaphore_mem>>) src(%dma_wait3A_624 : memref<1000000x32xf32, #tpu.memory_space<hbm>>) dst(%dma_wait3A_619 : memref<128x32xf32, #tpu.memory_space<vmem>>)
      %dma_wait3A_625 = arith.constant 256 : i32
      %dma_wait3A_626 = arith.constant 0 : i32
      %dma_wait3A_627 = tpu.memref_slice %arg9[%dma_wait3A_625, %dma_wait3A_626] : memref<512x32xf32, #tpu.memory_space<vmem>> -> memref<128x32xf32, #tpu.memory_space<vmem>>
      %dma_wait3A_628 = arith.constant 256 : i32
      %dma_wait3A_629 = tpu.memref_slice %arg7[%dma_wait3A_628] : memref<512xi32, #tpu.memory_space<vmem>> -> memref<128xi32, #tpu.memory_space<vmem>>
      %dma_wait3A_630 = arith.constant 0 : i32
      %dma_wait3A_631 = arith.constant 0 : i32
      %dma_wait3A_632 = tpu.memref_slice %arg3[%dma_wait3A_630, %dma_wait3A_631] : memref<1000000x32xf32, #tpu.memory_space<hbm>> -> memref<1000000x32xf32, #tpu.memory_space<hbm>>
      tpu.wait_indirect_dma semaphore(%arg14 : memref<!tpu.dma_semaphore, #tpu.memory_space<semaphore_mem>>) src(%dma_wait3A_632 : memref<1000000x32xf32, #tpu.memory_space<hbm>>) dst(%dma_wait3A_627 : memref<128x32xf32, #tpu.memory_space<vmem>>)
      %dma_wait3A_633 = arith.constant 384 : i32
      %dma_wait3A_634 = arith.constant 0 : i32
      %dma_wait3A_635 = tpu.memref_slice %arg9[%dma_wait3A_633, %dma_wait3A_634] : memref<512x32xf32, #tpu.memory_space<vmem>> -> memref<128x32xf32, #tpu.memory_space<vmem>>
      %dma_wait3A_636 = arith.constant 384 : i32
      %dma_wait3A_637 = tpu.memref_slice %arg7[%dma_wait3A_636] : memref<512xi32, #tpu.memory_space<vmem>> -> memref<128xi32, #tpu.memory_space<vmem>>
      %dma_wait3A_638 = arith.constant 0 : i32
      %dma_wait3A_639 = arith.constant 0 : i32
      %dma_wait3A_640 = tpu.memref_slice %arg3[%dma_wait3A_638, %dma_wait3A_639] : memref<1000000x32xf32, #tpu.memory_space<hbm>> -> memref<1000000x32xf32, #tpu.memory_space<hbm>>
      tpu.wait_indirect_dma semaphore(%arg14 : memref<!tpu.dma_semaphore, #tpu.memory_space<semaphore_mem>>) src(%dma_wait3A_640 : memref<1000000x32xf32, #tpu.memory_space<hbm>>) dst(%dma_wait3A_635 : memref<128x32xf32, #tpu.memory_space<vmem>>)
      %add3A_641 = arith.constant 1 : i32
      %add3A_642 = arith.addi %add3A_608, %add3A_641 : i32
      %lt3A_643 = arith.constant 50 : i32
      %lt3A_644 = arith.cmpi slt, %add3A_642, %lt3A_643 : i32
      %convert_element_type3A_645 = arith.extui %lt3A_644 : i1 to i32
      %cond3A_646 = arith.constant 0 : i32
      %cond3A_647 = arith.cmpi ne, %convert_element_type3A_645, %cond3A_646 : i32
      scf.if %cond3A_647 {
        %add3A_819 = arith.constant 1 : i32
        %add3A_820 = arith.addi %add3A_608, %add3A_819 : i32
        %add3A_821 = arith.addi %mul3A_2, %add3A_820 : i32
        %jit3A_822 = arith.constant 8 : i32
        %div3A_823 = arith.divsi %add3A_821, %jit3A_822 : i32
        %sign3A_824 = arith.constant 0 : i32
        %sign3A_825 = arith.cmpi sgt, %add3A_821, %sign3A_824 : i32
        %sign3A_826 = arith.extui %sign3A_825 : i1 to i32
        %sign3A_827 = arith.constant 0 : i32
        %sign3A_828 = arith.cmpi slt, %add3A_821, %sign3A_827 : i32
        %sign3A_829 = arith.extui %sign3A_828 : i1 to i32
        %sign3A_830 = arith.subi %sign3A_826, %sign3A_829 : i32
        %sign3A_831 = arith.constant 0 : i32
        %sign3A_832 = arith.cmpi sgt, %jit3A_822, %sign3A_831 : i32
        %sign3A_833 = arith.extui %sign3A_832 : i1 to i32
        %sign3A_834 = arith.constant 0 : i32
        %sign3A_835 = arith.cmpi slt, %jit3A_822, %sign3A_834 : i32
        %sign3A_836 = arith.extui %sign3A_835 : i1 to i32
        %sign3A_837 = arith.subi %sign3A_833, %sign3A_836 : i32
        %ne3A_838 = arith.cmpi ne, %sign3A_830, %sign3A_837 : i32
        %rem3A_839 = arith.remsi %add3A_821, %jit3A_822 : i32
        %ne3A_840 = arith.constant 0 : i32
        %ne3A_841 = arith.cmpi ne, %rem3A_839, %ne3A_840 : i32
        %and3A_842 = arith.andi %ne3A_838, %ne3A_841 : i1
        %sub3A_843 = arith.constant 1 : i32
        %sub3A_844 = arith.subi %div3A_823, %sub3A_843 : i32
        %select_n3A_845 = arith.select %and3A_842, %sub3A_844, %div3A_823 : i32
        %jit3A_846 = arith.constant 8 : i32
        %eq3A_847 = arith.constant 0 : i32
        %eq3A_848 = arith.cmpi eq, %jit3A_846, %eq3A_847 : i32
        %jit3A_849 = arith.constant 1 : i32
        %select_n3A_850 = arith.select %eq3A_848, %jit3A_849, %jit3A_846 : i32
        %rem3A_851 = arith.remsi %add3A_821, %select_n3A_850 : i32
        %ne3A_852 = arith.constant 0 : i32
        %ne3A_853 = arith.cmpi ne, %rem3A_851, %ne3A_852 : i32
        %lt3A_854 = arith.constant 0 : i32
        %lt3A_855 = arith.cmpi slt, %rem3A_851, %lt3A_854 : i32
        %lt3A_856 = arith.constant 0 : i32
        %lt3A_857 = arith.cmpi slt, %select_n3A_850, %lt3A_856 : i32
        %ne3A_858 = arith.xori %lt3A_855, %lt3A_857 : i1
        %and3A_859 = arith.andi %ne3A_858, %ne3A_853 : i1
        %add3A_860 = arith.addi %rem3A_851, %select_n3A_850 : i32
        %select_n3A_861 = arith.select %and3A_859, %add3A_860, %rem3A_851 : i32
        %mul3A_862 = arith.constant 4 : i32
        %mul3A_863 = arith.muli %select_n3A_861, %mul3A_862 : i32
        %mul3A_864 = arith.constant 128 : i32
        %mul3A_865 = arith.muli %mul3A_863, %mul3A_864 : i32
        %dma_wait3A_866 = tpu.memref_slice %arg2[%select_n3A_845, %mul3A_865] : memref<200x4096xi32, #tpu.memory_space<hbm>> -> memref<1x512xi32, #tpu.memory_space<hbm>>
        %dma_wait3A_867 = tpu.memref_squeeze %dma_wait3A_866 : memref<1x512xi32, #tpu.memory_space<hbm>> -> memref<512xi32, #tpu.memory_space<hbm>>
        %dma_wait3A_868 = tpu.memref_slice %arg2[%select_n3A_845, %mul3A_865] : memref<200x4096xi32, #tpu.memory_space<hbm>> -> memref<1x512xi32, #tpu.memory_space<hbm>>
        %dma_wait3A_869 = tpu.memref_squeeze %dma_wait3A_868 : memref<1x512xi32, #tpu.memory_space<hbm>> -> memref<512xi32, #tpu.memory_space<hbm>>
        tpu.wait_dma2 semaphore(%arg15 : memref<!tpu.dma_semaphore, #tpu.memory_space<semaphore_mem>>) src(%dma_wait3A_869 : memref<512xi32, #tpu.memory_space<hbm>>) dst(%arg6 : memref<512xi32, #tpu.memory_space<vmem>>)
        %dma_start3A_870 = arith.constant 0 : i32
        %dma_start3A_871 = arith.constant 0 : i32
        %dma_start3A_872 = tpu.memref_slice %arg8[%dma_start3A_870, %dma_start3A_871] : memref<512x32xf32, #tpu.memory_space<vmem>> -> memref<128x32xf32, #tpu.memory_space<vmem>>
        %dma_start3A_873 = arith.constant 0 : i32
        %dma_start3A_874 = tpu.memref_slice %arg6[%dma_start3A_873] : memref<512xi32, #tpu.memory_space<vmem>> -> memref<128xi32, #tpu.memory_space<vmem>>
        %dma_start3A_875 = arith.constant 0 : i32
        %dma_start3A_876 = arith.constant 0 : i32
        %dma_start3A_877 = tpu.memref_slice %arg3[%dma_start3A_875, %dma_start3A_876] : memref<1000000x32xf32, #tpu.memory_space<hbm>> -> memref<1000000x32xf32, #tpu.memory_space<hbm>>
        tpu.enqueue_indirect_dma source(%dma_start3A_877 : memref<1000000x32xf32, #tpu.memory_space<hbm>>) target(%dma_start3A_872 : memref<128x32xf32, #tpu.memory_space<vmem>>) offsets(%dma_start3A_874 : memref<128xi32, #tpu.memory_space<vmem>>) semaphore(%arg13 : memref<!tpu.dma_semaphore, #tpu.memory_space<semaphore_mem>>)
        %dma_start3A_878 = arith.constant 128 : i32
        %dma_start3A_879 = arith.constant 0 : i32
        %dma_start3A_880 = tpu.memref_slice %arg8[%dma_start3A_878, %dma_start3A_879] : memref<512x32xf32, #tpu.memory_space<vmem>> -> memref<128x32xf32, #tpu.memory_space<vmem>>
        %dma_start3A_881 = arith.constant 128 : i32
        %dma_start3A_882 = tpu.memref_slice %arg6[%dma_start3A_881] : memref<512xi32, #tpu.memory_space<vmem>> -> memref<128xi32, #tpu.memory_space<vmem>>
        %dma_start3A_883 = arith.constant 0 : i32
        %dma_start3A_884 = arith.constant 0 : i32
        %dma_start3A_885 = tpu.memref_slice %arg3[%dma_start3A_883, %dma_start3A_884] : memref<1000000x32xf32, #tpu.memory_space<hbm>> -> memref<1000000x32xf32, #tpu.memory_space<hbm>>
        tpu.enqueue_indirect_dma source(%dma_start3A_885 : memref<1000000x32xf32, #tpu.memory_space<hbm>>) target(%dma_start3A_880 : memref<128x32xf32, #tpu.memory_space<vmem>>) offsets(%dma_start3A_882 : memref<128xi32, #tpu.memory_space<vmem>>) semaphore(%arg13 : memref<!tpu.dma_semaphore, #tpu.memory_space<semaphore_mem>>)
        %dma_start3A_886 = arith.constant 256 : i32
        %dma_start3A_887 = arith.constant 0 : i32
        %dma_start3A_888 = tpu.memref_slice %arg8[%dma_start3A_886, %dma_start3A_887] : memref<512x32xf32, #tpu.memory_space<vmem>> -> memref<128x32xf32, #tpu.memory_space<vmem>>
        %dma_start3A_889 = arith.constant 256 : i32
        %dma_start3A_890 = tpu.memref_slice %arg6[%dma_start3A_889] : memref<512xi32, #tpu.memory_space<vmem>> -> memref<128xi32, #tpu.memory_space<vmem>>
        %dma_start3A_891 = arith.constant 0 : i32
        %dma_start3A_892 = arith.constant 0 : i32
        %dma_start3A_893 = tpu.memref_slice %arg3[%dma_start3A_891, %dma_start3A_892] : memref<1000000x32xf32, #tpu.memory_space<hbm>> -> memref<1000000x32xf32, #tpu.memory_space<hbm>>
        tpu.enqueue_indirect_dma source(%dma_start3A_893 : memref<1000000x32xf32, #tpu.memory_space<hbm>>) target(%dma_start3A_888 : memref<128x32xf32, #tpu.memory_space<vmem>>) offsets(%dma_start3A_890 : memref<128xi32, #tpu.memory_space<vmem>>) semaphore(%arg13 : memref<!tpu.dma_semaphore, #tpu.memory_space<semaphore_mem>>)
        %dma_start3A_894 = arith.constant 384 : i32
        %dma_start3A_895 = arith.constant 0 : i32
        %dma_start3A_896 = tpu.memref_slice %arg8[%dma_start3A_894, %dma_start3A_895] : memref<512x32xf32, #tpu.memory_space<vmem>> -> memref<128x32xf32, #tpu.memory_space<vmem>>
        %dma_start3A_897 = arith.constant 384 : i32
        %dma_start3A_898 = tpu.memref_slice %arg6[%dma_start3A_897] : memref<512xi32, #tpu.memory_space<vmem>> -> memref<128xi32, #tpu.memory_space<vmem>>
        %dma_start3A_899 = arith.constant 0 : i32
        %dma_start3A_900 = arith.constant 0 : i32
        %dma_start3A_901 = tpu.memref_slice %arg3[%dma_start3A_899, %dma_start3A_900] : memref<1000000x32xf32, #tpu.memory_space<hbm>> -> memref<1000000x32xf32, #tpu.memory_space<hbm>>
        tpu.enqueue_indirect_dma source(%dma_start3A_901 : memref<1000000x32xf32, #tpu.memory_space<hbm>>) target(%dma_start3A_896 : memref<128x32xf32, #tpu.memory_space<vmem>>) offsets(%dma_start3A_898 : memref<128xi32, #tpu.memory_space<vmem>>) semaphore(%arg13 : memref<!tpu.dma_semaphore, #tpu.memory_space<semaphore_mem>>)
      } else {
      }
      %add3A_648 = arith.constant 2 : i32
      %add3A_649 = arith.addi %add3A_608, %add3A_648 : i32
      %lt3A_650 = arith.constant 50 : i32
      %lt3A_651 = arith.cmpi slt, %add3A_649, %lt3A_650 : i32
      %convert_element_type3A_652 = arith.extui %lt3A_651 : i1 to i32
      %cond3A_653 = arith.constant 0 : i32
      %cond3A_654 = arith.cmpi ne, %convert_element_type3A_652, %cond3A_653 : i32
      scf.if %cond3A_654 {
        %add3A_819 = arith.constant 2 : i32
        %add3A_820 = arith.addi %add3A_608, %add3A_819 : i32
        %add3A_821 = arith.addi %mul3A_2, %add3A_820 : i32
        %jit3A_822 = arith.constant 8 : i32
        %div3A_823 = arith.divsi %add3A_821, %jit3A_822 : i32
        %sign3A_824 = arith.constant 0 : i32
        %sign3A_825 = arith.cmpi sgt, %add3A_821, %sign3A_824 : i32
        %sign3A_826 = arith.extui %sign3A_825 : i1 to i32
        %sign3A_827 = arith.constant 0 : i32
        %sign3A_828 = arith.cmpi slt, %add3A_821, %sign3A_827 : i32
        %sign3A_829 = arith.extui %sign3A_828 : i1 to i32
        %sign3A_830 = arith.subi %sign3A_826, %sign3A_829 : i32
        %sign3A_831 = arith.constant 0 : i32
        %sign3A_832 = arith.cmpi sgt, %jit3A_822, %sign3A_831 : i32
        %sign3A_833 = arith.extui %sign3A_832 : i1 to i32
        %sign3A_834 = arith.constant 0 : i32
        %sign3A_835 = arith.cmpi slt, %jit3A_822, %sign3A_834 : i32
        %sign3A_836 = arith.extui %sign3A_835 : i1 to i32
        %sign3A_837 = arith.subi %sign3A_833, %sign3A_836 : i32
        %ne3A_838 = arith.cmpi ne, %sign3A_830, %sign3A_837 : i32
        %rem3A_839 = arith.remsi %add3A_821, %jit3A_822 : i32
        %ne3A_840 = arith.constant 0 : i32
        %ne3A_841 = arith.cmpi ne, %rem3A_839, %ne3A_840 : i32
        %and3A_842 = arith.andi %ne3A_838, %ne3A_841 : i1
        %sub3A_843 = arith.constant 1 : i32
        %sub3A_844 = arith.subi %div3A_823, %sub3A_843 : i32
        %select_n3A_845 = arith.select %and3A_842, %sub3A_844, %div3A_823 : i32
        %jit3A_846 = arith.constant 8 : i32
        %eq3A_847 = arith.constant 0 : i32
        %eq3A_848 = arith.cmpi eq, %jit3A_846, %eq3A_847 : i32
        %jit3A_849 = arith.constant 1 : i32
        %select_n3A_850 = arith.select %eq3A_848, %jit3A_849, %jit3A_846 : i32
        %rem3A_851 = arith.remsi %add3A_821, %select_n3A_850 : i32
        %ne3A_852 = arith.constant 0 : i32
        %ne3A_853 = arith.cmpi ne, %rem3A_851, %ne3A_852 : i32
        %lt3A_854 = arith.constant 0 : i32
        %lt3A_855 = arith.cmpi slt, %rem3A_851, %lt3A_854 : i32
        %lt3A_856 = arith.constant 0 : i32
        %lt3A_857 = arith.cmpi slt, %select_n3A_850, %lt3A_856 : i32
        %ne3A_858 = arith.xori %lt3A_855, %lt3A_857 : i1
        %and3A_859 = arith.andi %ne3A_858, %ne3A_853 : i1
        %add3A_860 = arith.addi %rem3A_851, %select_n3A_850 : i32
        %select_n3A_861 = arith.select %and3A_859, %add3A_860, %rem3A_851 : i32
        %mul3A_862 = arith.constant 4 : i32
        %mul3A_863 = arith.muli %select_n3A_861, %mul3A_862 : i32
        %mul3A_864 = arith.constant 128 : i32
        %mul3A_865 = arith.muli %mul3A_863, %mul3A_864 : i32
        %dma_start3A_866 = tpu.memref_slice %arg2[%select_n3A_845, %mul3A_865] : memref<200x4096xi32, #tpu.memory_space<hbm>> -> memref<1x512xi32, #tpu.memory_space<hbm>>
        %dma_start3A_867 = tpu.memref_squeeze %dma_start3A_866 : memref<1x512xi32, #tpu.memory_space<hbm>> -> memref<512xi32, #tpu.memory_space<hbm>>
        %dma_start3A_868 = tpu.memref_slice %arg2[%select_n3A_845, %mul3A_865] : memref<200x4096xi32, #tpu.memory_space<hbm>> -> memref<1x512xi32, #tpu.memory_space<hbm>>
        %dma_start3A_869 = tpu.memref_squeeze %dma_start3A_868 : memref<1x512xi32, #tpu.memory_space<hbm>> -> memref<512xi32, #tpu.memory_space<hbm>>
        tpu.enqueue_dma source(%dma_start3A_869 : memref<512xi32, #tpu.memory_space<hbm>>) target(%arg7 : memref<512xi32, #tpu.memory_space<vmem>>) target_semaphore(%arg16 : memref<!tpu.dma_semaphore, #tpu.memory_space<semaphore_mem>>)
      } else {
      }
      %ge3A_655 = arith.constant 2 : i32
      %ge3A_656 = arith.cmpi sge, %add3A_608, %ge3A_655 : i32
      %convert_element_type3A_657 = arith.extui %ge3A_656 : i1 to i32
      %cond3A_658 = arith.constant 0 : i32
      %cond3A_659 = arith.cmpi ne, %convert_element_type3A_657, %cond3A_658 : i32
      scf.if %cond3A_659 {
        %sub3A_819 = arith.constant 2 : i32
        %sub3A_820 = arith.subi %add3A_608, %sub3A_819 : i32
        %add3A_821 = arith.addi %mul3A_2, %sub3A_820 : i32
        %jit3A_822 = arith.constant 8 : i32
        %div3A_823 = arith.divsi %add3A_821, %jit3A_822 : i32
        %sign3A_824 = arith.constant 0 : i32
        %sign3A_825 = arith.cmpi sgt, %add3A_821, %sign3A_824 : i32
        %sign3A_826 = arith.extui %sign3A_825 : i1 to i32
        %sign3A_827 = arith.constant 0 : i32
        %sign3A_828 = arith.cmpi slt, %add3A_821, %sign3A_827 : i32
        %sign3A_829 = arith.extui %sign3A_828 : i1 to i32
        %sign3A_830 = arith.subi %sign3A_826, %sign3A_829 : i32
        %sign3A_831 = arith.constant 0 : i32
        %sign3A_832 = arith.cmpi sgt, %jit3A_822, %sign3A_831 : i32
        %sign3A_833 = arith.extui %sign3A_832 : i1 to i32
        %sign3A_834 = arith.constant 0 : i32
        %sign3A_835 = arith.cmpi slt, %jit3A_822, %sign3A_834 : i32
        %sign3A_836 = arith.extui %sign3A_835 : i1 to i32
        %sign3A_837 = arith.subi %sign3A_833, %sign3A_836 : i32
        %ne3A_838 = arith.cmpi ne, %sign3A_830, %sign3A_837 : i32
        %rem3A_839 = arith.remsi %add3A_821, %jit3A_822 : i32
        %ne3A_840 = arith.constant 0 : i32
        %ne3A_841 = arith.cmpi ne, %rem3A_839, %ne3A_840 : i32
        %and3A_842 = arith.andi %ne3A_838, %ne3A_841 : i1
        %sub3A_843 = arith.constant 1 : i32
        %sub3A_844 = arith.subi %div3A_823, %sub3A_843 : i32
        %select_n3A_845 = arith.select %and3A_842, %sub3A_844, %div3A_823 : i32
        %jit3A_846 = arith.constant 8 : i32
        %eq3A_847 = arith.constant 0 : i32
        %eq3A_848 = arith.cmpi eq, %jit3A_846, %eq3A_847 : i32
        %jit3A_849 = arith.constant 1 : i32
        %select_n3A_850 = arith.select %eq3A_848, %jit3A_849, %jit3A_846 : i32
        %rem3A_851 = arith.remsi %add3A_821, %select_n3A_850 : i32
        %ne3A_852 = arith.constant 0 : i32
        %ne3A_853 = arith.cmpi ne, %rem3A_851, %ne3A_852 : i32
        %lt3A_854 = arith.constant 0 : i32
        %lt3A_855 = arith.cmpi slt, %rem3A_851, %lt3A_854 : i32
        %lt3A_856 = arith.constant 0 : i32
        %lt3A_857 = arith.cmpi slt, %select_n3A_850, %lt3A_856 : i32
        %ne3A_858 = arith.xori %lt3A_855, %lt3A_857 : i1
        %and3A_859 = arith.andi %ne3A_858, %ne3A_853 : i1
        %add3A_860 = arith.addi %rem3A_851, %select_n3A_850 : i32
        %select_n3A_861 = arith.select %and3A_859, %add3A_860, %rem3A_851 : i32
        %mul3A_862 = arith.constant 4 : i32
        %mul3A_863 = arith.muli %select_n3A_861, %mul3A_862 : i32
        %mul3A_864 = arith.constant 8 : i32
        %mul3A_865 = arith.muli %mul3A_863, %mul3A_864 : i32
        %add3A_866 = arith.constant 0 : i32
        %add3A_867 = arith.addi %add3A_866, %mul3A_865 : i32
        %mul3A_868 = arith.constant 8 : i32
        %mul3A_869 = arith.muli %mul3A_863, %mul3A_868 : i32
        %add3A_870 = arith.constant 256 : i32
        %add3A_871 = arith.addi %add3A_870, %mul3A_869 : i32
        %mul3A_872 = arith.constant 8 : i32
        %mul3A_873 = arith.muli %mul3A_863, %mul3A_872 : i32
        %add3A_874 = arith.constant 512 : i32
        %add3A_875 = arith.addi %add3A_874, %mul3A_873 : i32
        %mul3A_876 = arith.constant 8 : i32
        %mul3A_877 = arith.muli %mul3A_863, %mul3A_876 : i32
        %add3A_878 = arith.constant 768 : i32
        %add3A_879 = arith.addi %add3A_878, %mul3A_877 : i32
        %dma_wait3A_880 = arith.constant 0 : i32
        %dma_wait3A_881 = arith.constant 0 : i32
        %dma_wait3A_882 = tpu.memref_slice %arg11[%dma_wait3A_880, %dma_wait3A_881] : memref<128x129xf32, #tpu.memory_space<vmem>> -> memref<32x128xf32, #tpu.memory_space<vmem>>
        %dma_wait3A_883 = arith.constant 0 : i32
        %dma_wait3A_884 = tpu.memref_slice %arg5[%select_n3A_845, %add3A_867, %dma_wait3A_883] : memref<200x1024x128xf32, #tpu.memory_space<hbm>> -> memref<1x32x128xf32, #tpu.memory_space<hbm>>
        %dma_wait3A_885 = tpu.memref_squeeze %dma_wait3A_884 : memref<1x32x128xf32, #tpu.memory_space<hbm>> -> memref<32x128xf32, #tpu.memory_space<hbm>>
        %dma_wait3A_886 = arith.constant 0 : i32
        %dma_wait3A_887 = tpu.memref_slice %arg5[%select_n3A_845, %add3A_867, %dma_wait3A_886] : memref<200x1024x128xf32, #tpu.memory_space<hbm>> -> memref<1x32x128xf32, #tpu.memory_space<hbm>>
        %dma_wait3A_888 = tpu.memref_squeeze %dma_wait3A_887 : memref<1x32x128xf32, #tpu.memory_space<hbm>> -> memref<32x128xf32, #tpu.memory_space<hbm>>
        %dma_wait3A_889 = arith.constant 0 : i32
        %dma_wait3A_890 = arith.constant 0 : i32
        %dma_wait3A_891 = tpu.memref_slice %arg11[%dma_wait3A_889, %dma_wait3A_890] : memref<128x129xf32, #tpu.memory_space<vmem>> -> memref<32x128xf32, #tpu.memory_space<vmem>>
        tpu.wait_dma2 semaphore(%arg18 : memref<!tpu.dma_semaphore, #tpu.memory_space<semaphore_mem>>) src(%dma_wait3A_891 : memref<32x128xf32, #tpu.memory_space<vmem>>) dst(%dma_wait3A_888 : memref<32x128xf32, #tpu.memory_space<hbm>>)
        %dma_wait3A_892 = arith.constant 32 : i32
        %dma_wait3A_893 = arith.constant 0 : i32
        %dma_wait3A_894 = tpu.memref_slice %arg11[%dma_wait3A_892, %dma_wait3A_893] : memref<128x129xf32, #tpu.memory_space<vmem>> -> memref<32x128xf32, #tpu.memory_space<vmem>>
        %dma_wait3A_895 = arith.constant 0 : i32
        %dma_wait3A_896 = tpu.memref_slice %arg5[%select_n3A_845, %add3A_871, %dma_wait3A_895] : memref<200x1024x128xf32, #tpu.memory_space<hbm>> -> memref<1x32x128xf32, #tpu.memory_space<hbm>>
        %dma_wait3A_897 = tpu.memref_squeeze %dma_wait3A_896 : memref<1x32x128xf32, #tpu.memory_space<hbm>> -> memref<32x128xf32, #tpu.memory_space<hbm>>
        %dma_wait3A_898 = arith.constant 0 : i32
        %dma_wait3A_899 = tpu.memref_slice %arg5[%select_n3A_845, %add3A_871, %dma_wait3A_898] : memref<200x1024x128xf32, #tpu.memory_space<hbm>> -> memref<1x32x128xf32, #tpu.memory_space<hbm>>
        %dma_wait3A_900 = tpu.memref_squeeze %dma_wait3A_899 : memref<1x32x128xf32, #tpu.memory_space<hbm>> -> memref<32x128xf32, #tpu.memory_space<hbm>>
        %dma_wait3A_901 = arith.constant 32 : i32
        %dma_wait3A_902 = arith.constant 0 : i32
        %dma_wait3A_903 = tpu.memref_slice %arg11[%dma_wait3A_901, %dma_wait3A_902] : memref<128x129xf32, #tpu.memory_space<vmem>> -> memref<32x128xf32, #tpu.memory_space<vmem>>
        tpu.wait_dma2 semaphore(%arg18 : memref<!tpu.dma_semaphore, #tpu.memory_space<semaphore_mem>>) src(%dma_wait3A_903 : memref<32x128xf32, #tpu.memory_space<vmem>>) dst(%dma_wait3A_900 : memref<32x128xf32, #tpu.memory_space<hbm>>)
        %dma_wait3A_904 = arith.constant 64 : i32
        %dma_wait3A_905 = arith.constant 0 : i32
        %dma_wait3A_906 = tpu.memref_slice %arg11[%dma_wait3A_904, %dma_wait3A_905] : memref<128x129xf32, #tpu.memory_space<vmem>> -> memref<32x128xf32, #tpu.memory_space<vmem>>
        %dma_wait3A_907 = arith.constant 0 : i32
        %dma_wait3A_908 = tpu.memref_slice %arg5[%select_n3A_845, %add3A_875, %dma_wait3A_907] : memref<200x1024x128xf32, #tpu.memory_space<hbm>> -> memref<1x32x128xf32, #tpu.memory_space<hbm>>
        %dma_wait3A_909 = tpu.memref_squeeze %dma_wait3A_908 : memref<1x32x128xf32, #tpu.memory_space<hbm>> -> memref<32x128xf32, #tpu.memory_space<hbm>>
        %dma_wait3A_910 = arith.constant 0 : i32
        %dma_wait3A_911 = tpu.memref_slice %arg5[%select_n3A_845, %add3A_875, %dma_wait3A_910] : memref<200x1024x128xf32, #tpu.memory_space<hbm>> -> memref<1x32x128xf32, #tpu.memory_space<hbm>>
        %dma_wait3A_912 = tpu.memref_squeeze %dma_wait3A_911 : memref<1x32x128xf32, #tpu.memory_space<hbm>> -> memref<32x128xf32, #tpu.memory_space<hbm>>
        %dma_wait3A_913 = arith.constant 64 : i32
        %dma_wait3A_914 = arith.constant 0 : i32
        %dma_wait3A_915 = tpu.memref_slice %arg11[%dma_wait3A_913, %dma_wait3A_914] : memref<128x129xf32, #tpu.memory_space<vmem>> -> memref<32x128xf32, #tpu.memory_space<vmem>>
        tpu.wait_dma2 semaphore(%arg18 : memref<!tpu.dma_semaphore, #tpu.memory_space<semaphore_mem>>) src(%dma_wait3A_915 : memref<32x128xf32, #tpu.memory_space<vmem>>) dst(%dma_wait3A_912 : memref<32x128xf32, #tpu.memory_space<hbm>>)
        %dma_wait3A_916 = arith.constant 96 : i32
        %dma_wait3A_917 = arith.constant 0 : i32
        %dma_wait3A_918 = tpu.memref_slice %arg11[%dma_wait3A_916, %dma_wait3A_917] : memref<128x129xf32, #tpu.memory_space<vmem>> -> memref<32x128xf32, #tpu.memory_space<vmem>>
        %dma_wait3A_919 = arith.constant 0 : i32
        %dma_wait3A_920 = tpu.memref_slice %arg5[%select_n3A_845, %add3A_879, %dma_wait3A_919] : memref<200x1024x128xf32, #tpu.memory_space<hbm>> -> memref<1x32x128xf32, #tpu.memory_space<hbm>>
        %dma_wait3A_921 = tpu.memref_squeeze %dma_wait3A_920 : memref<1x32x128xf32, #tpu.memory_space<hbm>> -> memref<32x128xf32, #tpu.memory_space<hbm>>
        %dma_wait3A_922 = arith.constant 0 : i32
        %dma_wait3A_923 = tpu.memref_slice %arg5[%select_n3A_845, %add3A_879, %dma_wait3A_922] : memref<200x1024x128xf32, #tpu.memory_space<hbm>> -> memref<1x32x128xf32, #tpu.memory_space<hbm>>
        %dma_wait3A_924 = tpu.memref_squeeze %dma_wait3A_923 : memref<1x32x128xf32, #tpu.memory_space<hbm>> -> memref<32x128xf32, #tpu.memory_space<hbm>>
        %dma_wait3A_925 = arith.constant 96 : i32
        %dma_wait3A_926 = arith.constant 0 : i32
        %dma_wait3A_927 = tpu.memref_slice %arg11[%dma_wait3A_925, %dma_wait3A_926] : memref<128x129xf32, #tpu.memory_space<vmem>> -> memref<32x128xf32, #tpu.memory_space<vmem>>
        tpu.wait_dma2 semaphore(%arg18 : memref<!tpu.dma_semaphore, #tpu.memory_space<semaphore_mem>>) src(%dma_wait3A_927 : memref<32x128xf32, #tpu.memory_space<vmem>>) dst(%dma_wait3A_924 : memref<32x128xf32, #tpu.memory_space<hbm>>)
      } else {
      }
      %add3A_660 = arith.addi %mul3A_2, %add3A_608 : i32
      %jit3A_661 = arith.constant 8 : i32
      %div3A_662 = arith.divsi %add3A_660, %jit3A_661 : i32
      %sign3A_663 = arith.constant 0 : i32
      %sign3A_664 = arith.cmpi sgt, %add3A_660, %sign3A_663 : i32
      %sign3A_665 = arith.extui %sign3A_664 : i1 to i32
      %sign3A_666 = arith.constant 0 : i32
      %sign3A_667 = arith.cmpi slt, %add3A_660, %sign3A_666 : i32
      %sign3A_668 = arith.extui %sign3A_667 : i1 to i32
      %sign3A_669 = arith.subi %sign3A_665, %sign3A_668 : i32
      %sign3A_670 = arith.constant 0 : i32
      %sign3A_671 = arith.cmpi sgt, %jit3A_661, %sign3A_670 : i32
      %sign3A_672 = arith.extui %sign3A_671 : i1 to i32
      %sign3A_673 = arith.constant 0 : i32
      %sign3A_674 = arith.cmpi slt, %jit3A_661, %sign3A_673 : i32
      %sign3A_675 = arith.extui %sign3A_674 : i1 to i32
      %sign3A_676 = arith.subi %sign3A_672, %sign3A_675 : i32
      %ne3A_677 = arith.cmpi ne, %sign3A_669, %sign3A_676 : i32
      %rem3A_678 = arith.remsi %add3A_660, %jit3A_661 : i32
      %ne3A_679 = arith.constant 0 : i32
      %ne3A_680 = arith.cmpi ne, %rem3A_678, %ne3A_679 : i32
      %and3A_681 = arith.andi %ne3A_677, %ne3A_680 : i1
      %sub3A_682 = arith.constant 1 : i32
      %sub3A_683 = arith.subi %div3A_662, %sub3A_682 : i32
      %select_n3A_684 = arith.select %and3A_681, %sub3A_683, %div3A_662 : i32
      %jit3A_685 = arith.constant 8 : i32
      %eq3A_686 = arith.constant 0 : i32
      %eq3A_687 = arith.cmpi eq, %jit3A_685, %eq3A_686 : i32
      %jit3A_688 = arith.constant 1 : i32
      %select_n3A_689 = arith.select %eq3A_687, %jit3A_688, %jit3A_685 : i32
      %rem3A_690 = arith.remsi %add3A_660, %select_n3A_689 : i32
      %ne3A_691 = arith.constant 0 : i32
      %ne3A_692 = arith.cmpi ne, %rem3A_690, %ne3A_691 : i32
      %lt3A_693 = arith.constant 0 : i32
      %lt3A_694 = arith.cmpi slt, %rem3A_690, %lt3A_693 : i32
      %lt3A_695 = arith.constant 0 : i32
      %lt3A_696 = arith.cmpi slt, %select_n3A_689, %lt3A_695 : i32
      %ne3A_697 = arith.xori %lt3A_694, %lt3A_696 : i1
      %and3A_698 = arith.andi %ne3A_697, %ne3A_692 : i1
      %add3A_699 = arith.addi %rem3A_690, %select_n3A_689 : i32
      %select_n3A_700 = arith.select %and3A_698, %add3A_699, %rem3A_690 : i32
      %mul3A_701 = arith.constant 4 : i32
      %mul3A_702 = arith.muli %select_n3A_700, %mul3A_701 : i32
      %get3A_703 = arith.index_cast %select_n3A_684 : i32 to index
      %get3A_704 = arith.constant 0 : index
      %get3A_705 = tpu.vector_load %arg12[%get3A_703, %get3A_704] {strides = array<i32>} : memref<200x32xf32, #tpu.memory_space<vmem>>, vector<16xf32>,
      %get3A_706 = arith.index_cast %select_n3A_684 : i32 to index
      %get3A_707 = arith.constant 16 : index
      %get3A_708 = tpu.vector_load %arg12[%get3A_706, %get3A_707] {strides = array<i32>} : memref<200x32xf32, #tpu.memory_space<vmem>>, vector<16xf32>,
      %parallel_loop3A_709 = arith.constant 0 : i32
      %parallel_loop3A_710 = arith.constant 512 : i32
      %parallel_loop3A_711 = arith.constant 1 : i32
      scf.for %parallel_loop3A_819 = %parallel_loop3A_709 to %parallel_loop3A_710 step %parallel_loop3A_711  : i32 {
        %parallel_loop3A_820 = arith.constant 128 : i32
        %parallel_loop3A_821 = arith.divsi %parallel_loop3A_819, %parallel_loop3A_820 : i32
        %parallel_loop3A_822 = arith.constant 0 : i32
        %parallel_loop3A_823 = arith.cmpi sgt, %parallel_loop3A_819, %parallel_loop3A_822 : i32
        %parallel_loop3A_824 = arith.extui %parallel_loop3A_823 : i1 to i32
        %parallel_loop3A_825 = arith.constant 0 : i32
        %parallel_loop3A_826 = arith.cmpi slt, %parallel_loop3A_819, %parallel_loop3A_825 : i32
        %parallel_loop3A_827 = arith.extui %parallel_loop3A_826 : i1 to i32
        %parallel_loop3A_828 = arith.subi %parallel_loop3A_824, %parallel_loop3A_827 : i32
        %parallel_loop3A_829 = arith.constant 0 : i32
        %parallel_loop3A_830 = arith.cmpi sgt, %parallel_loop3A_820, %parallel_loop3A_829 : i32
        %parallel_loop3A_831 = arith.extui %parallel_loop3A_830 : i1 to i32
        %parallel_loop3A_832 = arith.constant 0 : i32
        %parallel_loop3A_833 = arith.cmpi slt, %parallel_loop3A_820, %parallel_loop3A_832 : i32
        %parallel_loop3A_834 = arith.extui %parallel_loop3A_833 : i1 to i32
        %parallel_loop3A_835 = arith.subi %parallel_loop3A_831, %parallel_loop3A_834 : i32
        %parallel_loop3A_836 = arith.cmpi ne, %parallel_loop3A_828, %parallel_loop3A_835 : i32
        %parallel_loop3A_837 = arith.remsi %parallel_loop3A_819, %parallel_loop3A_820 : i32
        %parallel_loop3A_838 = arith.constant 0 : i32
        %parallel_loop3A_839 = arith.cmpi ne, %parallel_loop3A_837, %parallel_loop3A_838 : i32
        %parallel_loop3A_840 = arith.andi %parallel_loop3A_836, %parallel_loop3A_839 : i1
        %parallel_loop3A_841 = arith.constant 1 : i32
        %parallel_loop3A_842 = arith.subi %parallel_loop3A_821, %parallel_loop3A_841 : i32
        %parallel_loop3A_843 = arith.select %parallel_loop3A_840, %parallel_loop3A_842, %parallel_loop3A_821 : i32
        %parallel_loop3A_844 = arith.constant 8 : i32
        %parallel_loop3A_845 = arith.muli %parallel_loop3A_843, %parallel_loop3A_844 : i32
        %parallel_loop3A_846 = vector.broadcast %parallel_loop3A_845 : i32 to vector<16xi32>
        %parallel_loop3A_847 = arith.addi %add3A_49, %parallel_loop3A_846 : vector<16xi32>
        %parallel_loop3A_848 = arith.constant 64 : i32
        %parallel_loop3A_849 = vector.broadcast %parallel_loop3A_848 : i32 to vector<16xi32>
        %parallel_loop3A_850 = arith.addi %parallel_loop3A_847, %parallel_loop3A_849 : vector<16xi32>
        %parallel_loop3A_851 = arith.constant 128 : i32
        %parallel_loop3A_852 = arith.constant 0 : i32
        %parallel_loop3A_853 = arith.cmpi eq, %parallel_loop3A_851, %parallel_loop3A_852 : i32
        %parallel_loop3A_854 = arith.constant 1 : i32
        %parallel_loop3A_855 = arith.select %parallel_loop3A_853, %parallel_loop3A_854, %parallel_loop3A_851 : i32
        %parallel_loop3A_856 = arith.remsi %parallel_loop3A_819, %parallel_loop3A_855 : i32
        %parallel_loop3A_857 = arith.constant 0 : i32
        %parallel_loop3A_858 = arith.cmpi ne, %parallel_loop3A_856, %parallel_loop3A_857 : i32
        %parallel_loop3A_859 = arith.constant 0 : i32
        %parallel_loop3A_860 = arith.cmpi slt, %parallel_loop3A_856, %parallel_loop3A_859 : i32
        %parallel_loop3A_861 = arith.constant 0 : i32
        %parallel_loop3A_862 = arith.cmpi slt, %parallel_loop3A_855, %parallel_loop3A_861 : i32
        %parallel_loop3A_863 = arith.xori %parallel_loop3A_860, %parallel_loop3A_862 : i1
        %parallel_loop3A_864 = arith.andi %parallel_loop3A_863, %parallel_loop3A_858 : i1
        %parallel_loop3A_865 = arith.addi %parallel_loop3A_856, %parallel_loop3A_855 : i32
        %parallel_loop3A_866 = arith.select %parallel_loop3A_864, %parallel_loop3A_865, %parallel_loop3A_856 : i32
        %parallel_loop3A_867 = vector.broadcast %parallel_loop3A_866 : i32 to vector<16xi32>
        %parallel_loop3A_868 = arith.index_cast %parallel_loop3A_819 : i32 to index
        %parallel_loop3A_869 = arith.constant 0 : index
        %parallel_loop3A_870 = tpu.vector_load %arg9[%parallel_loop3A_868, %parallel_loop3A_869] {strides = array<i32>} : memref<512x32xf32, #tpu.memory_space<vmem>>, vector<16xf32>,
        %parallel_loop3A_871 = arith.addf %parallel_loop3A_870, %get3A_705 : vector<16xf32>
        %parallel_loop3A_872 = arith.index_cast %parallel_loop3A_819 : i32 to index
        %parallel_loop3A_873 = arith.constant 16 : index
        %parallel_loop3A_874 = tpu.vector_load %arg9[%parallel_loop3A_872, %parallel_loop3A_873] {strides = array<i32>} : memref<512x32xf32, #tpu.memory_space<vmem>>, vector<16xf32>,
        %parallel_loop3A_875 = arith.addf %parallel_loop3A_874, %get3A_708 : vector<16xf32>
        tpu.vector_store_idx %arg11[%parallel_loop3A_847, %parallel_loop3A_867], %parallel_loop3A_871 : memref<128x129xf32, #tpu.memory_space<vmem>>[vector<16xi32>, vector<16xi32>], vector<16xf32>,
        tpu.vector_store_idx %arg11[%parallel_loop3A_850, %parallel_loop3A_867], %parallel_loop3A_875 : memref<128x129xf32, #tpu.memory_space<vmem>>[vector<16xi32>, vector<16xi32>], vector<16xf32>,
      } {sc.loop_unroll_factor = 16 : i64, sc.parallel_access}
      %add3A_712 = arith.addi %mul3A_2, %add3A_608 : i32
      %jit3A_713 = arith.constant 8 : i32
      %div3A_714 = arith.divsi %add3A_712, %jit3A_713 : i32
      %sign3A_715 = arith.constant 0 : i32
      %sign3A_716 = arith.cmpi sgt, %add3A_712, %sign3A_715 : i32
      %sign3A_717 = arith.extui %sign3A_716 : i1 to i32
      %sign3A_718 = arith.constant 0 : i32
      %sign3A_719 = arith.cmpi slt, %add3A_712, %sign3A_718 : i32
      %sign3A_720 = arith.extui %sign3A_719 : i1 to i32
      %sign3A_721 = arith.subi %sign3A_717, %sign3A_720 : i32
      %sign3A_722 = arith.constant 0 : i32
      %sign3A_723 = arith.cmpi sgt, %jit3A_713, %sign3A_722 : i32
      %sign3A_724 = arith.extui %sign3A_723 : i1 to i32
      %sign3A_725 = arith.constant 0 : i32
      %sign3A_726 = arith.cmpi slt, %jit3A_713, %sign3A_725 : i32
      %sign3A_727 = arith.extui %sign3A_726 : i1 to i32
      %sign3A_728 = arith.subi %sign3A_724, %sign3A_727 : i32
      %ne3A_729 = arith.cmpi ne, %sign3A_721, %sign3A_728 : i32
      %rem3A_730 = arith.remsi %add3A_712, %jit3A_713 : i32
      %ne3A_731 = arith.constant 0 : i32
      %ne3A_732 = arith.cmpi ne, %rem3A_730, %ne3A_731 : i32
      %and3A_733 = arith.andi %ne3A_729, %ne3A_732 : i1
      %sub3A_734 = arith.constant 1 : i32
      %sub3A_735 = arith.subi %div3A_714, %sub3A_734 : i32
      %select_n3A_736 = arith.select %and3A_733, %sub3A_735, %div3A_714 : i32
      %jit3A_737 = arith.constant 8 : i32
      %eq3A_738 = arith.constant 0 : i32
      %eq3A_739 = arith.cmpi eq, %jit3A_737, %eq3A_738 : i32
      %jit3A_740 = arith.constant 1 : i32
      %select_n3A_741 = arith.select %eq3A_739, %jit3A_740, %jit3A_737 : i32
      %rem3A_742 = arith.remsi %add3A_712, %select_n3A_741 : i32
      %ne3A_743 = arith.constant 0 : i32
      %ne3A_744 = arith.cmpi ne, %rem3A_742, %ne3A_743 : i32
      %lt3A_745 = arith.constant 0 : i32
      %lt3A_746 = arith.cmpi slt, %rem3A_742, %lt3A_745 : i32
      %lt3A_747 = arith.constant 0 : i32
      %lt3A_748 = arith.cmpi slt, %select_n3A_741, %lt3A_747 : i32
      %ne3A_749 = arith.xori %lt3A_746, %lt3A_748 : i1
      %and3A_750 = arith.andi %ne3A_749, %ne3A_744 : i1
      %add3A_751 = arith.addi %rem3A_742, %select_n3A_741 : i32
      %select_n3A_752 = arith.select %and3A_750, %add3A_751, %rem3A_742 : i32
      %mul3A_753 = arith.constant 4 : i32
      %mul3A_754 = arith.muli %select_n3A_752, %mul3A_753 : i32
      %mul3A_755 = arith.constant 8 : i32
      %mul3A_756 = arith.muli %mul3A_754, %mul3A_755 : i32
      %add3A_757 = arith.constant 0 : i32
      %add3A_758 = arith.addi %add3A_757, %mul3A_756 : i32
      %mul3A_759 = arith.constant 8 : i32
      %mul3A_760 = arith.muli %mul3A_754, %mul3A_759 : i32
      %add3A_761 = arith.constant 256 : i32
      %add3A_762 = arith.addi %add3A_761, %mul3A_760 : i32
      %mul3A_763 = arith.constant 8 : i32
      %mul3A_764 = arith.muli %mul3A_754, %mul3A_763 : i32
      %add3A_765 = arith.constant 512 : i32
      %add3A_766 = arith.addi %add3A_765, %mul3A_764 : i32
      %mul3A_767 = arith.constant 8 : i32
      %mul3A_768 = arith.muli %mul3A_754, %mul3A_767 : i32
      %add3A_769 = arith.constant 768 : i32
      %add3A_770 = arith.addi %add3A_769, %mul3A_768 : i32
      %dma_start3A_771 = arith.constant 0 : i32
      %dma_start3A_772 = arith.constant 0 : i32
      %dma_start3A_773 = tpu.memref_slice %arg11[%dma_start3A_771, %dma_start3A_772] : memref<128x129xf32, #tpu.memory_space<vmem>> -> memref<32x128xf32, #tpu.memory_space<vmem>>
      %dma_start3A_774 = arith.constant 0 : i32
      %dma_start3A_775 = tpu.memref_slice %arg5[%select_n3A_736, %add3A_758, %dma_start3A_774] : memref<200x1024x128xf32, #tpu.memory_space<hbm>> -> memref<1x32x128xf32, #tpu.memory_space<hbm>>
      %dma_start3A_776 = tpu.memref_squeeze %dma_start3A_775 : memref<1x32x128xf32, #tpu.memory_space<hbm>> -> memref<32x128xf32, #tpu.memory_space<hbm>>
      %dma_start3A_777 = arith.constant 0 : i32
      %dma_start3A_778 = tpu.memref_slice %arg5[%select_n3A_736, %add3A_758, %dma_start3A_777] : memref<200x1024x128xf32, #tpu.memory_space<hbm>> -> memref<1x32x128xf32, #tpu.memory_space<hbm>>
      %dma_start3A_779 = tpu.memref_squeeze %dma_start3A_778 : memref<1x32x128xf32, #tpu.memory_space<hbm>> -> memref<32x128xf32, #tpu.memory_space<hbm>>
      %dma_start3A_780 = arith.constant 0 : i32
      %dma_start3A_781 = arith.constant 0 : i32
      %dma_start3A_782 = tpu.memref_slice %arg11[%dma_start3A_780, %dma_start3A_781] : memref<128x129xf32, #tpu.memory_space<vmem>> -> memref<32x128xf32, #tpu.memory_space<vmem>>
      tpu.enqueue_dma source(%dma_start3A_782 : memref<32x128xf32, #tpu.memory_space<vmem>>) target(%dma_start3A_779 : memref<32x128xf32, #tpu.memory_space<hbm>>) target_semaphore(%arg18 : memref<!tpu.dma_semaphore, #tpu.memory_space<semaphore_mem>>)
      %dma_start3A_783 = arith.constant 32 : i32
      %dma_start3A_784 = arith.constant 0 : i32
      %dma_start3A_785 = tpu.memref_slice %arg11[%dma_start3A_783, %dma_start3A_784] : memref<128x129xf32, #tpu.memory_space<vmem>> -> memref<32x128xf32, #tpu.memory_space<vmem>>
      %dma_start3A_786 = arith.constant 0 : i32
      %dma_start3A_787 = tpu.memref_slice %arg5[%select_n3A_736, %add3A_762, %dma_start3A_786] : memref<200x1024x128xf32, #tpu.memory_space<hbm>> -> memref<1x32x128xf32, #tpu.memory_space<hbm>>
      %dma_start3A_788 = tpu.memref_squeeze %dma_start3A_787 : memref<1x32x128xf32, #tpu.memory_space<hbm>> -> memref<32x128xf32, #tpu.memory_space<hbm>>
      %dma_start3A_789 = arith.constant 0 : i32
      %dma_start3A_790 = tpu.memref_slice %arg5[%select_n3A_736, %add3A_762, %dma_start3A_789] : memref<200x1024x128xf32, #tpu.memory_space<hbm>> -> memref<1x32x128xf32, #tpu.memory_space<hbm>>
      %dma_start3A_791 = tpu.memref_squeeze %dma_start3A_790 : memref<1x32x128xf32, #tpu.memory_space<hbm>> -> memref<32x128xf32, #tpu.memory_space<hbm>>
      %dma_start3A_792 = arith.constant 32 : i32
      %dma_start3A_793 = arith.constant 0 : i32
      %dma_start3A_794 = tpu.memref_slice %arg11[%dma_start3A_792, %dma_start3A_793] : memref<128x129xf32, #tpu.memory_space<vmem>> -> memref<32x128xf32, #tpu.memory_space<vmem>>
      tpu.enqueue_dma source(%dma_start3A_794 : memref<32x128xf32, #tpu.memory_space<vmem>>) target(%dma_start3A_791 : memref<32x128xf32, #tpu.memory_space<hbm>>) target_semaphore(%arg18 : memref<!tpu.dma_semaphore, #tpu.memory_space<semaphore_mem>>)
      %dma_start3A_795 = arith.constant 64 : i32
      %dma_start3A_796 = arith.constant 0 : i32
      %dma_start3A_797 = tpu.memref_slice %arg11[%dma_start3A_795, %dma_start3A_796] : memref<128x129xf32, #tpu.memory_space<vmem>> -> memref<32x128xf32, #tpu.memory_space<vmem>>
      %dma_start3A_798 = arith.constant 0 : i32
      %dma_start3A_799 = tpu.memref_slice %arg5[%select_n3A_736, %add3A_766, %dma_start3A_798] : memref<200x1024x128xf32, #tpu.memory_space<hbm>> -> memref<1x32x128xf32, #tpu.memory_space<hbm>>
      %dma_start3A_800 = tpu.memref_squeeze %dma_start3A_799 : memref<1x32x128xf32, #tpu.memory_space<hbm>> -> memref<32x128xf32, #tpu.memory_space<hbm>>
      %dma_start3A_801 = arith.constant 0 : i32
      %dma_start3A_802 = tpu.memref_slice %arg5[%select_n3A_736, %add3A_766, %dma_start3A_801] : memref<200x1024x128xf32, #tpu.memory_space<hbm>> -> memref<1x32x128xf32, #tpu.memory_space<hbm>>
      %dma_start3A_803 = tpu.memref_squeeze %dma_start3A_802 : memref<1x32x128xf32, #tpu.memory_space<hbm>> -> memref<32x128xf32, #tpu.memory_space<hbm>>
      %dma_start3A_804 = arith.constant 64 : i32
      %dma_start3A_805 = arith.constant 0 : i32
      %dma_start3A_806 = tpu.memref_slice %arg11[%dma_start3A_804, %dma_start3A_805] : memref<128x129xf32, #tpu.memory_space<vmem>> -> memref<32x128xf32, #tpu.memory_space<vmem>>
      tpu.enqueue_dma source(%dma_start3A_806 : memref<32x128xf32, #tpu.memory_space<vmem>>) target(%dma_start3A_803 : memref<32x128xf32, #tpu.memory_space<hbm>>) target_semaphore(%arg18 : memref<!tpu.dma_semaphore, #tpu.memory_space<semaphore_mem>>)
      %dma_start3A_807 = arith.constant 96 : i32
      %dma_start3A_808 = arith.constant 0 : i32
      %dma_start3A_809 = tpu.memref_slice %arg11[%dma_start3A_807, %dma_start3A_808] : memref<128x129xf32, #tpu.memory_space<vmem>> -> memref<32x128xf32, #tpu.memory_space<vmem>>
      %dma_start3A_810 = arith.constant 0 : i32
      %dma_start3A_811 = tpu.memref_slice %arg5[%select_n3A_736, %add3A_770, %dma_start3A_810] : memref<200x1024x128xf32, #tpu.memory_space<hbm>> -> memref<1x32x128xf32, #tpu.memory_space<hbm>>
      %dma_start3A_812 = tpu.memref_squeeze %dma_start3A_811 : memref<1x32x128xf32, #tpu.memory_space<hbm>> -> memref<32x128xf32, #tpu.memory_space<hbm>>
      %dma_start3A_813 = arith.constant 0 : i32
      %dma_start3A_814 = tpu.memref_slice %arg5[%select_n3A_736, %add3A_770, %dma_start3A_813] : memref<200x1024x128xf32, #tpu.memory_space<hbm>> -> memref<1x32x128xf32, #tpu.memory_space<hbm>>
      %dma_start3A_815 = tpu.memref_squeeze %dma_start3A_814 : memref<1x32x128xf32, #tpu.memory_space<hbm>> -> memref<32x128xf32, #tpu.memory_space<hbm>>
      %dma_start3A_816 = arith.constant 96 : i32
      %dma_start3A_817 = arith.constant 0 : i32
      %dma_start3A_818 = tpu.memref_slice %arg11[%dma_start3A_816, %dma_start3A_817] : memref<128x129xf32, #tpu.memory_space<vmem>> -> memref<32x128xf32, #tpu.memory_space<vmem>>
      tpu.enqueue_dma source(%dma_start3A_818 : memref<32x128xf32, #tpu.memory_space<vmem>>) target(%dma_start3A_815 : memref<32x128xf32, #tpu.memory_space<hbm>>) target_semaphore(%arg18 : memref<!tpu.dma_semaphore, #tpu.memory_space<semaphore_mem>>)
    }
    %scan3A_181 = arith.constant 25 : i32
    %add3A_182 = arith.constant 48 : i32
    %add3A_183 = arith.addi %mul3A_2, %add3A_182 : i32
    %jit3A_184 = arith.constant 8 : i32
    %div3A_185 = arith.divsi %add3A_183, %jit3A_184 : i32
    %sign3A_186 = arith.constant 0 : i32
    %sign3A_187 = arith.cmpi sgt, %add3A_183, %sign3A_186 : i32
    %sign3A_188 = arith.extui %sign3A_187 : i1 to i32
    %sign3A_189 = arith.constant 0 : i32
    %sign3A_190 = arith.cmpi slt, %add3A_183, %sign3A_189 : i32
    %sign3A_191 = arith.extui %sign3A_190 : i1 to i32
    %sign3A_192 = arith.subi %sign3A_188, %sign3A_191 : i32
    %sign3A_193 = arith.constant 0 : i32
    %sign3A_194 = arith.cmpi sgt, %jit3A_184, %sign3A_193 : i32
    %sign3A_195 = arith.extui %sign3A_194 : i1 to i32
    %sign3A_196 = arith.constant 0 : i32
    %sign3A_197 = arith.cmpi slt, %jit3A_184, %sign3A_196 : i32
    %sign3A_198 = arith.extui %sign3A_197 : i1 to i32
    %sign3A_199 = arith.subi %sign3A_195, %sign3A_198 : i32
    %ne3A_200 = arith.cmpi ne, %sign3A_192, %sign3A_199 : i32
    %rem3A_201 = arith.remsi %add3A_183, %jit3A_184 : i32
    %ne3A_202 = arith.constant 0 : i32
    %ne3A_203 = arith.cmpi ne, %rem3A_201, %ne3A_202 : i32
    %and3A_204 = arith.andi %ne3A_200, %ne3A_203 : i1
    %sub3A_205 = arith.constant 1 : i32
    %sub3A_206 = arith.subi %div3A_185, %sub3A_205 : i32
    %select_n3A_207 = arith.select %and3A_204, %sub3A_206, %div3A_185 : i32
    %jit3A_208 = arith.constant 8 : i32
    %eq3A_209 = arith.constant 0 : i32
    %eq3A_210 = arith.cmpi eq, %jit3A_208, %eq3A_209 : i32
    %jit3A_211 = arith.constant 1 : i32
    %select_n3A_212 = arith.select %eq3A_210, %jit3A_211, %jit3A_208 : i32
    %rem3A_213 = arith.remsi %add3A_183, %select_n3A_212 : i32
    %ne3A_214 = arith.constant 0 : i32
    %ne3A_215 = arith.cmpi ne, %rem3A_213, %ne3A_214 : i32
    %lt3A_216 = arith.constant 0 : i32
    %lt3A_217 = arith.cmpi slt, %rem3A_213, %lt3A_216 : i32
    %lt3A_218 = arith.constant 0 : i32
    %lt3A_219 = arith.cmpi slt, %select_n3A_212, %lt3A_218 : i32
    %ne3A_220 = arith.xori %lt3A_217, %lt3A_219 : i1
    %and3A_221 = arith.andi %ne3A_220, %ne3A_215 : i1
    %add3A_222 = arith.addi %rem3A_213, %select_n3A_212 : i32
    %select_n3A_223 = arith.select %and3A_221, %add3A_222, %rem3A_213 : i32
    %mul3A_224 = arith.constant 4 : i32
    %mul3A_225 = arith.muli %select_n3A_223, %mul3A_224 : i32
    %mul3A_226 = arith.constant 8 : i32
    %mul3A_227 = arith.muli %mul3A_225, %mul3A_226 : i32
    %add3A_228 = arith.constant 0 : i32
    %add3A_229 = arith.addi %add3A_228, %mul3A_227 : i32
    %mul3A_230 = arith.constant 8 : i32
    %mul3A_231 = arith.muli %mul3A_225, %mul3A_230 : i32
    %add3A_232 = arith.constant 256 : i32
    %add3A_233 = arith.addi %add3A_232, %mul3A_231 : i32
    %mul3A_234 = arith.constant 8 : i32
    %mul3A_235 = arith.muli %mul3A_225, %mul3A_234 : i32
    %add3A_236 = arith.constant 512 : i32
    %add3A_237 = arith.addi %add3A_236, %mul3A_235 : i32
    %mul3A_238 = arith.constant 8 : i32
    %mul3A_239 = arith.muli %mul3A_225, %mul3A_238 : i32
    %add3A_240 = arith.constant 768 : i32
    %add3A_241 = arith.addi %add3A_240, %mul3A_239 : i32
    %dma_wait3A = arith.constant 0 : i32
    %dma_wait3A_242 = arith.constant 0 : i32
    %dma_wait3A_243 = tpu.memref_slice %arg10[%dma_wait3A, %dma_wait3A_242] : memref<128x129xf32, #tpu.memory_space<vmem>> -> memref<32x128xf32, #tpu.memory_space<vmem>>
    %dma_wait3A_244 = arith.constant 0 : i32
    %dma_wait3A_245 = tpu.memref_slice %arg5[%select_n3A_207, %add3A_229, %dma_wait3A_244] : memref<200x1024x128xf32, #tpu.memory_space<hbm>> -> memref<1x32x128xf32, #tpu.memory_space<hbm>>
    %dma_wait3A_246 = tpu.memref_squeeze %dma_wait3A_245 : memref<1x32x128xf32, #tpu.memory_space<hbm>> -> memref<32x128xf32, #tpu.memory_space<hbm>>
    %dma_wait3A_247 = arith.constant 0 : i32
    %dma_wait3A_248 = tpu.memref_slice %arg5[%select_n3A_207, %add3A_229, %dma_wait3A_247] : memref<200x1024x128xf32, #tpu.memory_space<hbm>> -> memref<1x32x128xf32, #tpu.memory_space<hbm>>
    %dma_wait3A_249 = tpu.memref_squeeze %dma_wait3A_248 : memref<1x32x128xf32, #tpu.memory_space<hbm>> -> memref<32x128xf32, #tpu.memory_space<hbm>>
    %dma_wait3A_250 = arith.constant 0 : i32
    %dma_wait3A_251 = arith.constant 0 : i32
    %dma_wait3A_252 = tpu.memref_slice %arg10[%dma_wait3A_250, %dma_wait3A_251] : memref<128x129xf32, #tpu.memory_space<vmem>> -> memref<32x128xf32, #tpu.memory_space<vmem>>
    tpu.wait_dma2 semaphore(%arg17 : memref<!tpu.dma_semaphore, #tpu.memory_space<semaphore_mem>>) src(%dma_wait3A_252 : memref<32x128xf32, #tpu.memory_space<vmem>>) dst(%dma_wait3A_249 : memref<32x128xf32, #tpu.memory_space<hbm>>)
    %dma_wait3A_253 = arith.constant 32 : i32
    %dma_wait3A_254 = arith.constant 0 : i32
    %dma_wait3A_255 = tpu.memref_slice %arg10[%dma_wait3A_253, %dma_wait3A_254] : memref<128x129xf32, #tpu.memory_space<vmem>> -> memref<32x128xf32, #tpu.memory_space<vmem>>
    %dma_wait3A_256 = arith.constant 0 : i32
    %dma_wait3A_257 = tpu.memref_slice %arg5[%select_n3A_207, %add3A_233, %dma_wait3A_256] : memref<200x1024x128xf32, #tpu.memory_space<hbm>> -> memref<1x32x128xf32, #tpu.memory_space<hbm>>
    %dma_wait3A_258 = tpu.memref_squeeze %dma_wait3A_257 : memref<1x32x128xf32, #tpu.memory_space<hbm>> -> memref<32x128xf32, #tpu.memory_space<hbm>>
    %dma_wait3A_259 = arith.constant 0 : i32
    %dma_wait3A_260 = tpu.memref_slice %arg5[%select_n3A_207, %add3A_233, %dma_wait3A_259] : memref<200x1024x128xf32, #tpu.memory_space<hbm>> -> memref<1x32x128xf32, #tpu.memory_space<hbm>>
    %dma_wait3A_261 = tpu.memref_squeeze %dma_wait3A_260 : memref<1x32x128xf32, #tpu.memory_space<hbm>> -> memref<32x128xf32, #tpu.memory_space<hbm>>
    %dma_wait3A_262 = arith.constant 32 : i32
    %dma_wait3A_263 = arith.constant 0 : i32
    %dma_wait3A_264 = tpu.memref_slice %arg10[%dma_wait3A_262, %dma_wait3A_263] : memref<128x129xf32, #tpu.memory_space<vmem>> -> memref<32x128xf32, #tpu.memory_space<vmem>>
    tpu.wait_dma2 semaphore(%arg17 : memref<!tpu.dma_semaphore, #tpu.memory_space<semaphore_mem>>) src(%dma_wait3A_264 : memref<32x128xf32, #tpu.memory_space<vmem>>) dst(%dma_wait3A_261 : memref<32x128xf32, #tpu.memory_space<hbm>>)
    %dma_wait3A_265 = arith.constant 64 : i32
    %dma_wait3A_266 = arith.constant 0 : i32
    %dma_wait3A_267 = tpu.memref_slice %arg10[%dma_wait3A_265, %dma_wait3A_266] : memref<128x129xf32, #tpu.memory_space<vmem>> -> memref<32x128xf32, #tpu.memory_space<vmem>>
    %dma_wait3A_268 = arith.constant 0 : i32
    %dma_wait3A_269 = tpu.memref_slice %arg5[%select_n3A_207, %add3A_237, %dma_wait3A_268] : memref<200x1024x128xf32, #tpu.memory_space<hbm>> -> memref<1x32x128xf32, #tpu.memory_space<hbm>>
    %dma_wait3A_270 = tpu.memref_squeeze %dma_wait3A_269 : memref<1x32x128xf32, #tpu.memory_space<hbm>> -> memref<32x128xf32, #tpu.memory_space<hbm>>
    %dma_wait3A_271 = arith.constant 0 : i32
    %dma_wait3A_272 = tpu.memref_slice %arg5[%select_n3A_207, %add3A_237, %dma_wait3A_271] : memref<200x1024x128xf32, #tpu.memory_space<hbm>> -> memref<1x32x128xf32, #tpu.memory_space<hbm>>
    %dma_wait3A_273 = tpu.memref_squeeze %dma_wait3A_272 : memref<1x32x128xf32, #tpu.memory_space<hbm>> -> memref<32x128xf32, #tpu.memory_space<hbm>>
    %dma_wait3A_274 = arith.constant 64 : i32
    %dma_wait3A_275 = arith.constant 0 : i32
    %dma_wait3A_276 = tpu.memref_slice %arg10[%dma_wait3A_274, %dma_wait3A_275] : memref<128x129xf32, #tpu.memory_space<vmem>> -> memref<32x128xf32, #tpu.memory_space<vmem>>
    tpu.wait_dma2 semaphore(%arg17 : memref<!tpu.dma_semaphore, #tpu.memory_space<semaphore_mem>>) src(%dma_wait3A_276 : memref<32x128xf32, #tpu.memory_space<vmem>>) dst(%dma_wait3A_273 : memref<32x128xf32, #tpu.memory_space<hbm>>)
    %dma_wait3A_277 = arith.constant 96 : i32
    %dma_wait3A_278 = arith.constant 0 : i32
    %dma_wait3A_279 = tpu.memref_slice %arg10[%dma_wait3A_277, %dma_wait3A_278] : memref<128x129xf32, #tpu.memory_space<vmem>> -> memref<32x128xf32, #tpu.memory_space<vmem>>
    %dma_wait3A_280 = arith.constant 0 : i32
    %dma_wait3A_281 = tpu.memref_slice %arg5[%select_n3A_207, %add3A_241, %dma_wait3A_280] : memref<200x1024x128xf32, #tpu.memory_space<hbm>> -> memref<1x32x128xf32, #tpu.memory_space<hbm>>
    %dma_wait3A_282 = tpu.memref_squeeze %dma_wait3A_281 : memref<1x32x128xf32, #tpu.memory_space<hbm>> -> memref<32x128xf32, #tpu.memory_space<hbm>>
    %dma_wait3A_283 = arith.constant 0 : i32
    %dma_wait3A_284 = tpu.memref_slice %arg5[%select_n3A_207, %add3A_241, %dma_wait3A_283] : memref<200x1024x128xf32, #tpu.memory_space<hbm>> -> memref<1x32x128xf32, #tpu.memory_space<hbm>>
    %dma_wait3A_285 = tpu.memref_squeeze %dma_wait3A_284 : memref<1x32x128xf32, #tpu.memory_space<hbm>> -> memref<32x128xf32, #tpu.memory_space<hbm>>
    %dma_wait3A_286 = arith.constant 96 : i32
    %dma_wait3A_287 = arith.constant 0 : i32
    %dma_wait3A_288 = tpu.memref_slice %arg10[%dma_wait3A_286, %dma_wait3A_287] : memref<128x129xf32, #tpu.memory_space<vmem>> -> memref<32x128xf32, #tpu.memory_space<vmem>>
    tpu.wait_dma2 semaphore(%arg17 : memref<!tpu.dma_semaphore, #tpu.memory_space<semaphore_mem>>) src(%dma_wait3A_288 : memref<32x128xf32, #tpu.memory_space<vmem>>) dst(%dma_wait3A_285 : memref<32x128xf32, #tpu.memory_space<hbm>>)
    %add3A_289 = arith.constant 49 : i32
    %add3A_290 = arith.addi %mul3A_2, %add3A_289 : i32
    %jit3A_291 = arith.constant 8 : i32
    %div3A_292 = arith.divsi %add3A_290, %jit3A_291 : i32
    %sign3A_293 = arith.constant 0 : i32
    %sign3A_294 = arith.cmpi sgt, %add3A_290, %sign3A_293 : i32
    %sign3A_295 = arith.extui %sign3A_294 : i1 to i32
    %sign3A_296 = arith.constant 0 : i32
    %sign3A_297 = arith.cmpi slt, %add3A_290, %sign3A_296 : i32
    %sign3A_298 = arith.extui %sign3A_297 : i1 to i32
    %sign3A_299 = arith.subi %sign3A_295, %sign3A_298 : i32
    %sign3A_300 = arith.constant 0 : i32
    %sign3A_301 = arith.cmpi sgt, %jit3A_291, %sign3A_300 : i32
    %sign3A_302 = arith.extui %sign3A_301 : i1 to i32
    %sign3A_303 = arith.constant 0 : i32
    %sign3A_304 = arith.cmpi slt, %jit3A_291, %sign3A_303 : i32
    %sign3A_305 = arith.extui %sign3A_304 : i1 to i32
    %sign3A_306 = arith.subi %sign3A_302, %sign3A_305 : i32
    %ne3A_307 = arith.cmpi ne, %sign3A_299, %sign3A_306 : i32
    %rem3A_308 = arith.remsi %add3A_290, %jit3A_291 : i32
    %ne3A_309 = arith.constant 0 : i32
    %ne3A_310 = arith.cmpi ne, %rem3A_308, %ne3A_309 : i32
    %and3A_311 = arith.andi %ne3A_307, %ne3A_310 : i1
    %sub3A_312 = arith.constant 1 : i32
    %sub3A_313 = arith.subi %div3A_292, %sub3A_312 : i32
    %select_n3A_314 = arith.select %and3A_311, %sub3A_313, %div3A_292 : i32
    %jit3A_315 = arith.constant 8 : i32
    %eq3A_316 = arith.constant 0 : i32
    %eq3A_317 = arith.cmpi eq, %jit3A_315, %eq3A_316 : i32
    %jit3A_318 = arith.constant 1 : i32
    %select_n3A_319 = arith.select %eq3A_317, %jit3A_318, %jit3A_315 : i32
    %rem3A_320 = arith.remsi %add3A_290, %select_n3A_319 : i32
    %ne3A_321 = arith.constant 0 : i32
    %ne3A_322 = arith.cmpi ne, %rem3A_320, %ne3A_321 : i32
    %lt3A_323 = arith.constant 0 : i32
    %lt3A_324 = arith.cmpi slt, %rem3A_320, %lt3A_323 : i32
    %lt3A_325 = arith.constant 0 : i32
    %lt3A_326 = arith.cmpi slt, %select_n3A_319, %lt3A_325 : i32
    %ne3A_327 = arith.xori %lt3A_324, %lt3A_326 : i1
    %and3A_328 = arith.andi %ne3A_327, %ne3A_322 : i1
    %add3A_329 = arith.addi %rem3A_320, %select_n3A_319 : i32
    %select_n3A_330 = arith.select %and3A_328, %add3A_329, %rem3A_320 : i32
    %mul3A_331 = arith.constant 4 : i32
    %mul3A_332 = arith.muli %select_n3A_330, %mul3A_331 : i32
    %mul3A_333 = arith.constant 8 : i32
    %mul3A_334 = arith.muli %mul3A_332, %mul3A_333 : i32
    %add3A_335 = arith.constant 0 : i32
    %add3A_336 = arith.addi %add3A_335, %mul3A_334 : i32
    %mul3A_337 = arith.constant 8 : i32
    %mul3A_338 = arith.muli %mul3A_332, %mul3A_337 : i32
    %add3A_339 = arith.constant 256 : i32
    %add3A_340 = arith.addi %add3A_339, %mul3A_338 : i32
    %mul3A_341 = arith.constant 8 : i32
    %mul3A_342 = arith.muli %mul3A_332, %mul3A_341 : i32
    %add3A_343 = arith.constant 512 : i32
    %add3A_344 = arith.addi %add3A_343, %mul3A_342 : i32
    %mul3A_345 = arith.constant 8 : i32
    %mul3A_346 = arith.muli %mul3A_332, %mul3A_345 : i32
    %add3A_347 = arith.constant 768 : i32
    %add3A_348 = arith.addi %add3A_347, %mul3A_346 : i32
    %dma_wait3A_349 = arith.constant 0 : i32
    %dma_wait3A_350 = arith.constant 0 : i32
    %dma_wait3A_351 = tpu.memref_slice %arg11[%dma_wait3A_349, %dma_wait3A_350] : memref<128x129xf32, #tpu.memory_space<vmem>> -> memref<32x128xf32, #tpu.memory_space<vmem>>
    %dma_wait3A_352 = arith.constant 0 : i32
    %dma_wait3A_353 = tpu.memref_slice %arg5[%select_n3A_314, %add3A_336, %dma_wait3A_352] : memref<200x1024x128xf32, #tpu.memory_space<hbm>> -> memref<1x32x128xf32, #tpu.memory_space<hbm>>
    %dma_wait3A_354 = tpu.memref_squeeze %dma_wait3A_353 : memref<1x32x128xf32, #tpu.memory_space<hbm>> -> memref<32x128xf32, #tpu.memory_space<hbm>>
    %dma_wait3A_355 = arith.constant 0 : i32
    %dma_wait3A_356 = tpu.memref_slice %arg5[%select_n3A_314, %add3A_336, %dma_wait3A_355] : memref<200x1024x128xf32, #tpu.memory_space<hbm>> -> memref<1x32x128xf32, #tpu.memory_space<hbm>>
    %dma_wait3A_357 = tpu.memref_squeeze %dma_wait3A_356 : memref<1x32x128xf32, #tpu.memory_space<hbm>> -> memref<32x128xf32, #tpu.memory_space<hbm>>
    %dma_wait3A_358 = arith.constant 0 : i32
    %dma_wait3A_359 = arith.constant 0 : i32
    %dma_wait3A_360 = tpu.memref_slice %arg11[%dma_wait3A_358, %dma_wait3A_359] : memref<128x129xf32, #tpu.memory_space<vmem>> -> memref<32x128xf32, #tpu.memory_space<vmem>>
    tpu.wait_dma2 semaphore(%arg18 : memref<!tpu.dma_semaphore, #tpu.memory_space<semaphore_mem>>) src(%dma_wait3A_360 : memref<32x128xf32, #tpu.memory_space<vmem>>) dst(%dma_wait3A_357 : memref<32x128xf32, #tpu.memory_space<hbm>>)
    %dma_wait3A_361 = arith.constant 32 : i32
    %dma_wait3A_362 = arith.constant 0 : i32
    %dma_wait3A_363 = tpu.memref_slice %arg11[%dma_wait3A_361, %dma_wait3A_362] : memref<128x129xf32, #tpu.memory_space<vmem>> -> memref<32x128xf32, #tpu.memory_space<vmem>>
    %dma_wait3A_364 = arith.constant 0 : i32
    %dma_wait3A_365 = tpu.memref_slice %arg5[%select_n3A_314, %add3A_340, %dma_wait3A_364] : memref<200x1024x128xf32, #tpu.memory_space<hbm>> -> memref<1x32x128xf32, #tpu.memory_space<hbm>>
    %dma_wait3A_366 = tpu.memref_squeeze %dma_wait3A_365 : memref<1x32x128xf32, #tpu.memory_space<hbm>> -> memref<32x128xf32, #tpu.memory_space<hbm>>
    %dma_wait3A_367 = arith.constant 0 : i32
    %dma_wait3A_368 = tpu.memref_slice %arg5[%select_n3A_314, %add3A_340, %dma_wait3A_367] : memref<200x1024x128xf32, #tpu.memory_space<hbm>> -> memref<1x32x128xf32, #tpu.memory_space<hbm>>
    %dma_wait3A_369 = tpu.memref_squeeze %dma_wait3A_368 : memref<1x32x128xf32, #tpu.memory_space<hbm>> -> memref<32x128xf32, #tpu.memory_space<hbm>>
    %dma_wait3A_370 = arith.constant 32 : i32
    %dma_wait3A_371 = arith.constant 0 : i32
    %dma_wait3A_372 = tpu.memref_slice %arg11[%dma_wait3A_370, %dma_wait3A_371] : memref<128x129xf32, #tpu.memory_space<vmem>> -> memref<32x128xf32, #tpu.memory_space<vmem>>
    tpu.wait_dma2 semaphore(%arg18 : memref<!tpu.dma_semaphore, #tpu.memory_space<semaphore_mem>>) src(%dma_wait3A_372 : memref<32x128xf32, #tpu.memory_space<vmem>>) dst(%dma_wait3A_369 : memref<32x128xf32, #tpu.memory_space<hbm>>)
    %dma_wait3A_373 = arith.constant 64 : i32
    %dma_wait3A_374 = arith.constant 0 : i32
    %dma_wait3A_375 = tpu.memref_slice %arg11[%dma_wait3A_373, %dma_wait3A_374] : memref<128x129xf32, #tpu.memory_space<vmem>> -> memref<32x128xf32, #tpu.memory_space<vmem>>
    %dma_wait3A_376 = arith.constant 0 : i32
    %dma_wait3A_377 = tpu.memref_slice %arg5[%select_n3A_314, %add3A_344, %dma_wait3A_376] : memref<200x1024x128xf32, #tpu.memory_space<hbm>> -> memref<1x32x128xf32, #tpu.memory_space<hbm>>
    %dma_wait3A_378 = tpu.memref_squeeze %dma_wait3A_377 : memref<1x32x128xf32, #tpu.memory_space<hbm>> -> memref<32x128xf32, #tpu.memory_space<hbm>>
    %dma_wait3A_379 = arith.constant 0 : i32
    %dma_wait3A_380 = tpu.memref_slice %arg5[%select_n3A_314, %add3A_344, %dma_wait3A_379] : memref<200x1024x128xf32, #tpu.memory_space<hbm>> -> memref<1x32x128xf32, #tpu.memory_space<hbm>>
    %dma_wait3A_381 = tpu.memref_squeeze %dma_wait3A_380 : memref<1x32x128xf32, #tpu.memory_space<hbm>> -> memref<32x128xf32, #tpu.memory_space<hbm>>
    %dma_wait3A_382 = arith.constant 64 : i32
    %dma_wait3A_383 = arith.constant 0 : i32
    %dma_wait3A_384 = tpu.memref_slice %arg11[%dma_wait3A_382, %dma_wait3A_383] : memref<128x129xf32, #tpu.memory_space<vmem>> -> memref<32x128xf32, #tpu.memory_space<vmem>>
    tpu.wait_dma2 semaphore(%arg18 : memref<!tpu.dma_semaphore, #tpu.memory_space<semaphore_mem>>) src(%dma_wait3A_384 : memref<32x128xf32, #tpu.memory_space<vmem>>) dst(%dma_wait3A_381 : memref<32x128xf32, #tpu.memory_space<hbm>>)
    %dma_wait3A_385 = arith.constant 96 : i32
    %dma_wait3A_386 = arith.constant 0 : i32
    %dma_wait3A_387 = tpu.memref_slice %arg11[%dma_wait3A_385, %dma_wait3A_386] : memref<128x129xf32, #tpu.memory_space<vmem>> -> memref<32x128xf32, #tpu.memory_space<vmem>>
    %dma_wait3A_388 = arith.constant 0 : i32
    %dma_wait3A_389 = tpu.memref_slice %arg5[%select_n3A_314, %add3A_348, %dma_wait3A_388] : memref<200x1024x128xf32, #tpu.memory_space<hbm>> -> memref<1x32x128xf32, #tpu.memory_space<hbm>>
    %dma_wait3A_390 = tpu.memref_squeeze %dma_wait3A_389 : memref<1x32x128xf32, #tpu.memory_space<hbm>> -> memref<32x128xf32, #tpu.memory_space<hbm>>
    %dma_wait3A_391 = arith.constant 0 : i32
    %dma_wait3A_392 = tpu.memref_slice %arg5[%select_n3A_314, %add3A_348, %dma_wait3A_391] : memref<200x1024x128xf32, #tpu.memory_space<hbm>> -> memref<1x32x128xf32, #tpu.memory_space<hbm>>
    %dma_wait3A_393 = tpu.memref_squeeze %dma_wait3A_392 : memref<1x32x128xf32, #tpu.memory_space<hbm>> -> memref<32x128xf32, #tpu.memory_space<hbm>>
    %dma_wait3A_394 = arith.constant 96 : i32
    %dma_wait3A_395 = arith.constant 0 : i32
    %dma_wait3A_396 = tpu.memref_slice %arg11[%dma_wait3A_394, %dma_wait3A_395] : memref<128x129xf32, #tpu.memory_space<vmem>> -> memref<32x128xf32, #tpu.memory_space<vmem>>
    tpu.wait_dma2 semaphore(%arg18 : memref<!tpu.dma_semaphore, #tpu.memory_space<semaphore_mem>>) src(%dma_wait3A_396 : memref<32x128xf32, #tpu.memory_space<vmem>>) dst(%dma_wait3A_393 : memref<32x128xf32, #tpu.memory_space<hbm>>)
    return
  }
}

</mosaic_0001>

<sc_bundles>
// kernel: kernel.3.cloned.1.call-start
scs
__scs_entry_jumppad:
0x0: {  	(pc) =	sbr.rel $0x88, $3  }
0x1: {  	(tag) =	ssettag $0x0;
	lr =	simm.s32 $0x1  }
0x2: {  	[smem:$0x3F9E] =	sst lr;
	_ =	strace $0xD0000000  }
0x3: {  	_ = 	snop  }
0x4: {  	_ = 	snop  }
0x5: {  	_ = 	snop  }
0x6: {  	_ = 	snop  }
0x7: {  	_ = 	snop  }
__scs_overlays_trampoline_lowered:
0x8: {  	[smem:$0x3FAD] =	sst s0  }
0x9: {  	[smem:$0x3FAE] =	sst s1  }
0xa: {  	[smem:$0x3FAF] =	sst s2  }
0xb: {  	[smem:$0x3FB0] =	sst s3  }
0xc: {  	[smem:$0x3FB1] =	sst s4  }
0xd: {  	[smem:$0x3FB2] =	sst s5  }
0xe: {  	[smem:$0x3FB3] =	sst s6  }
0xf: {  	[smem:$0x3FB4] =	sst s7  }
0x10: {  	[smem:$0x3FB5] =	sst s8  }
0x11: {  	[smem:$0x3FB6] =	sst s9;
	s0 =	simm.s32 @!p0 $0x0  }
0x12: {  	s1 =	sld [smem:$0x3F9C];
	s0 =	simm.s32 @p0 $0x1  }
0x13: {  	[smem:$0x3FB7] =	sst s0;
	s0 =	simm.s32 @!p1 $0x0  }
0x14: {  	s2 =	sld [smem:$0x3F9B];
	s0 =	simm.s32 @p1 $0x1  }
0x15: {  	[smem:$0x3FB8] =	sst s0;
	s0 =	simm.s32 @!p2 $0x0  }
0x16: {  	s3 =	sld [smem:$0x3FDB];
	s0 =	simm.s32 @p2 $0x1  }
0x17: {  	s4 =	simm.s32 $0x1BF5;
	[smem:$0x3FBA] =	sst s0  }
0x18: {  	s0 =	sld [smem:$0x3F9D];
	_ =	swait.ge [sflag:s4], $0x0  }
0x19: {  	s7 =	sld [smem:$0x3F9E]  }
0x1a: {  	s8 =	sadd.s32 $0xFFFFE003, lr  }
0x1b: {  	s9 =	sadd.s32 $0xFFFFFEF7, lr;
	s5 =	simm.s32 $0xFFFFFFFF;
	p2 =	slt.u32 s8, $0xFFFFF086  }
0x1c: {  	p1 =	slt.u32 s9, $0xF7A;
	s5 =	simm.s32 @!p2 $0x0  }
0x1d: {  	s5 =	simm.s32 @p1 $0x1;
	p0 =	seq.s32 s7, s2  }
0x1e: {  	s7 =	smul.u32 @!p0 $0xF7A, s2;
	p2 =	seq.s32 @!p0 s5, $0x0  }
0x1f: {  	s9 =	smul.u32 $0xF7A, s1;
	s8 =	simm.s32 @!p0 $0x1BF5;
	p2 =	por !p2, p0  }
0x20: {  	[sflag:s8] =	ssyncset.s32 @!p0 $0xFFFFF086;
	s6 =	sadd.s32 @!p0 s3, s7;
	s7 =	simm.s32 @!p0 $0x108  }
0x21: {  	s3 =	sadd.s32 s3, s9;
	s6 =	sadd.s32 @!p0 $0x88, s6;
	s7 =	simm.s32 @p2 $0x1082  }
0x22: {  	[simem:s7], [sflag:s8] =	dma.local @!p0 [hbm:s6], $0xF7A  }
0x23: {  	s9 =	sor.u32 $0xD0000000, s2;
	s6 =	simm.s32 $0x108;
	_ =	swait.ge @!p0 [sflag:s8], $0x0  }
0x24: {  	s3 =	sadd.s32 $0x88, s3;
	s6 =	simm.s32 @!p1 $0x1082;
	[sflag:s4] =	ssyncset.s32 $0xFFFFF086  }
0x25: {  	[simem:s6], [sflag:s4] =	dma.local [hbm:s3], $0xF7A  }
0x26: {  	[smem:$0x3F9E] =	sst s1;
	(tag) =	ssettag s2;
	_ =	strace s9  }
0x27: {  	s1 =	sld [smem:$0x3FAE]  }
0x28: {  	s2 =	sld [smem:$0x3FAF]  }
0x29: {  	s4 =	sld [smem:$0x3FB1]  }
0x2a: {  	p0 =	seq.s32 s5, $0x0;
	s5 =	sld [smem:$0x3FB2]  }
0x2b: {  	s6 =	sld [smem:$0x3FB3]  }
0x2c: {  	s7 =	sld [smem:$0x3FB4]  }
0x2d: {  	s3 =	simm.s32 $0x108;
	s8 =	sld [smem:$0x3FB5]  }
0x2e: {  	s3 =	simm.s32 @!p0 $0x1082;
	s9 =	sld [smem:$0x3FB6]  }
0x2f: {  	lr =	sadd.s32 s0, s3;
	s0 =	sld [smem:$0x3FAD]  }
0x30: {  	s3 =	sld [smem:$0x3FB0]  }
0x31: {  	[smem:$0x3FB9] =	sst s10  }
0x32: {  	s10 =	sld [smem:$0x3FB7];
	_ =	sdelay $0x3  }
0x33: {  	p0 =	seq.s32 s10, $0x1;
	s10 =	sld [smem:$0x3FB9];
	_ =	sdelay $0x3  }
0x34: {  	[smem:$0x3FB9] =	sst s10  }
0x35: {  	s10 =	sld [smem:$0x3FB8];
	_ =	sdelay $0x3  }
0x36: {  	p1 =	seq.s32 s10, $0x1;
	s10 =	sld [smem:$0x3FB9];
	_ =	sdelay $0x3  }
0x37: {  	[smem:$0x3FB9] =	sst s10  }
0x38: {  	s10 =	sld [smem:$0x3FBA]  }
0x39: {  	_ = 	snop;
	(pc) =	sbr.ind lr, $3  }
0x3a: {  	_ = 	snop  }
0x3b: {  	_ = 	snop  }
0x3c: {  	p2 =	seq.s32 s10, $0x1;
	s10 =	sld [smem:$0x3FB9]  }
0x3d: {  	_ =	shalt  }
0x3e: {  	_ =	shalt  }
0x3f: {  	_ =	shalt  }
0x40: {  	_ =	shalt  }
0x41: {  	_ =	shalt  }
0x42: {  	_ =	shalt  }
0x43: {  	_ =	shalt  }
0x44: {  	_ =	shalt  }
0x45: {  	_ =	shalt  }
0x46: {  	_ =	shalt  }
0x47: {  	_ =	shalt  }
0x48: {  	_ =	shalt  }
0x49: {  	_ =	shalt  }
0x4a: {  	_ =	shalt  }
0x4b: {  	_ =	shalt  }
0x4c: {  	_ =	shalt  }
0x4d: {  	_ =	shalt  }
0x4e: {  	_ =	shalt  }
0x4f: {  	_ =	shalt  }
0x50: {  	_ =	shalt  }
0x51: {  	_ =	shalt  }
0x52: {  	_ =	shalt  }
0x53: {  	_ =	shalt  }
0x54: {  	_ =	shalt  }
0x55: {  	_ =	shalt  }
0x56: {  	_ =	shalt  }
0x57: {  	_ =	shalt  }
0x58: {  	_ =	shalt  }
0x59: {  	_ =	shalt  }
0x5a: {  	_ =	shalt  }
0x5b: {  	_ =	shalt  }
0x5c: {  	_ =	shalt  }
0x5d: {  	_ =	shalt  }
0x5e: {  	_ =	shalt  }
0x5f: {  	_ =	shalt  }
0x60: {  	_ =	shalt  }
0x61: {  	_ =	shalt  }
0x62: {  	_ =	shalt  }
0x63: {  	_ =	shalt  }
0x64: {  	_ =	shalt  }
0x65: {  	_ =	shalt  }
0x66: {  	_ =	shalt  }
0x67: {  	_ =	shalt  }
0x68: {  	_ =	shalt  }
0x69: {  	_ =	shalt  }
0x6a: {  	_ =	shalt  }
0x6b: {  	_ =	shalt  }
0x6c: {  	_ =	shalt  }
0x6d: {  	_ =	shalt  }
0x6e: {  	_ =	shalt  }
0x6f: {  	_ =	shalt  }
0x70: {  	_ =	shalt  }
0x71: {  	_ =	shalt  }
0x72: {  	_ =	shalt  }
0x73: {  	_ =	shalt  }
0x74: {  	_ =	shalt  }
0x75: {  	_ =	shalt  }
0x76: {  	_ =	shalt  }
0x77: {  	_ =	shalt  }
0x78: {  	_ =	shalt  }
0x79: {  	_ =	shalt  }
0x7a: {  	_ =	shalt  }
0x7b: {  	_ =	shalt  }
0x7c: {  	_ =	shalt  }
0x7d: {  	_ =	shalt  }
0x7e: {  	_ =	shalt  }
0x7f: {  	_ =	shalt  }
0x80: {  	_ =	shalt  }
0x81: {  	_ =	shalt  }
0x82: {  	_ =	shalt  }
0x83: {  	_ =	shalt  }
0x84: {  	_ =	shalt  }
0x85: {  	_ =	shalt  }
0x86: {  	_ =	shalt  }
0x87: {  	_ =	shalt  }
.Lfunc_end0:
.L_simem_size_0:
called_computation_lowered:
.L_overlay_start_0:
0x88: {  	s2 =	sld [smem:$0x3FD9]  }
0x89: {  	s3 =	sld [smem:$0x3FFE];
	_ =	sdelay $0x1  }
0x8a: {  	s1 =	srdreg.scid  }
0x8b: {  	s0 =	sand.u32 $0x1, s1  }
0x8c: {  	s17 =	sshll.u32 s0, $0xA;
	s2 =	sadd.s32 s3, s2  }
0x8d: {  	s2 =	sadd.s32 s2, s17  }
0x8e: {  	[smem:$0x3FC5] =	sst s2  }
0x8f: {  	_ = 	snop  }
0x90: {  	s2 =	sld [smem:$0x3FD0];
	(tm) =	ssettm $0x1  }
0x91: {  	s18 =	sld [smem:$0x3FFB];
	_ =	sdelay $0x3  }
0x92: {  	_ =	strace s18  }
0x93: {  	s3 =	sld [smem:$0x3FFC];
	_ =	sdelay $0x3  }
0x94: {  	_ =	strace s3  }
0x95: {  	s3 =	sld [smem:$0x3FFD];
	_ =	sdelay $0x3  }
0x96: {  	_ =	strace s3  }
0x97: {  	_ =	strace $0x8FFFFFFF  }
0x98: {  	s19 =	sld [smem:$0x3FDB];
	_ =	sdelay $0x1  }
0x99: {  	s4 =	simm.s32 $_scs_section_size  }
0x9a: {  	s5 =	simm.s32 $_size__tile_overlayer_lowered;
	s6 =	simm.s32 $_tile_overlayer_lowered  }
0x9b: {  	s22 =	simm.s32 $0x1BFF;
	s21 =	sshll.u32 s6, $0x1;
	s3 =	sadd.s32 s4, s19  }
0x9c: {  	s7 =	simm.s32 $0x0;
	s20 =	sshll.u32 s5, $0x1;
	s5 =	sadd.s32 s21, s3  }
0x9d: {  	[timem:s7], [sflag:s22] =	dma.local [hbm:s5], s20  }
0x9e: {  	_ =	swait.ge [sflag:s22], s20  }
0x9f: {  	s4 =	ssub.s32 $0x0, s20;
	[sflag:s22] =	ssyncset.done $0x0  }
0xa0: {  	[sflag:s22] =	ssyncadd.s32 s4;
	_ =	sdelay $0x1  }
0xa1: {  	s23 =	simm.s32 $0x1B8B  }
0xa2: {  	_ =	swait.ge [sflag:s23], $0x1  }
0xa3: {  	[sflag:s23] =	ssyncset.done $0x0  }
0xa4: {  	s25 =	simm.s32 $0x1B8E;
	s24 =	sld [smem:$0x3FFE];
	[sflag:s23] =	ssyncadd.s32 $0xFFFFFFFF  }
0xa5: {  	s26 =	simm.s32 $execute0_lowered;
	[smem:$0x3FD2] =	sst s25  }
0xa6: {  	s5 =	sshll.u32 s26, $0x1;
	_ =	strace $0x80000046;
	[dreg:$0x1] =	wrdreg $0xFFFFFFFF  }
0xa7: {  	s28 =	simm.s32 $_size_execute0_lowered;
	s3 =	sadd.s32 s3, s5;
	[dreg:$0x0] =	wrdreg $0x0  }
0xa8: {  	s5 =	sshll.u32 s28, $0x1;
	[dreg:$0x2] =	wrdreg s3  }
0xa9: {  	[dreg:$0x3] =	wrdreg s5  }
0xaa: {  	[dreg:$0x4] =	wrdreg $0xC0  }
0xab: {  	_ =	task [dreg:s7], $0x5FFFF  }
0xac: {  	[dreg:$0x1] =	wrdreg $0xFFFFFFFF  }
0xad: {  	[dreg:$0x0] =	wrdreg $0x60  }
0xae: {  	[dreg:$0x2] =	wrdreg s24  }
0xaf: {  	[dreg:$0x3] =	wrdreg s2  }
0xb0: {  	[dreg:$0x4] =	wrdreg $0x9  }
0xb1: {  	_ =	task.clear_ibuf [dreg:s7], $0x5FFFF;
	_ =	strace $0x90000046  }
0xb2: {  	s29 =	simm.s32 $0x9;
	_ =	strace $0x80000048  }
0xb3: {  	_ =	swait.ge [sflag:s29], $0x1  }
0xb4: {  	[sflag:s29] =	ssyncadd.s32 $0xFFFFFFFF  }
0xb5: {  	_ =	strace $0x90000048  }
0xb6: {  	_ =	sfence  }
0xb7: {  	s30 =	sld [smem:$0x0];
	_ =	sdelay $0x2  }
0xb8: {  	s31 =	sshll.u32 s1, $0xD;
	s1 =	sshrl.u32 s1, $0x2  }
0xb9: {  	s3 =	sand.u32 $0x4000, s31;
	s1 =	sadd.s32 s1, s30  }
0xba: {  	s0 =	sor.u32 s3, s0;
	s1 =	sshll.u32 s1, $0x11  }
0xbb: {  	s0 =	sor.u32 s1, s0  }
0xbc: {  	s0 =	sadd.s32 $0x8F2B, s0  }
0xbd: {  	[sflag:s0] =	ssyncadd.remote.s32 $0x1  }
0xbe: {  	_ =	sfence.sel $0xFFFF  }
0xbf: {  	[dreg:$0x0] =	wrdreg $0xFFFFFFFF;
	(pc) =	sbr.abs _section_cstart, $3  }
0xc0: {  	[dreg:$0x1] =	wrdreg $0xFFFFFFFF  }
0xc1: {  	_ =	task.clear_ibuf [dreg:s7], $0x2FFFF;
	_ =	strace $0x9FFFFFFF  }
0xc2: {  	(tm) =	ssettm $0x7FFFFFFF  }
0xc3: {  	_ =	shalt  }
tec
execute0_lowered:
.L_overlay_start_1:
0x0: {  	(tag) =	ssettag $0x1  }
0x1: {  	v0 =	vimm.s32 $0x14B8;
	vm0 =	vcmask $0x300  }
0x2: {  	vm1 =	vcmask $0x704;
	v1 =	vimm.s32 $0x36B8;
	vm2 =	vcmask $0xB08  }
0x3: {  	s0 =	rddreg [dreg:$0x0];
	s1 =	srdreg.scid;
	vm3 =	vcmask $0xF0C;
	v0 =	vsel vm0, $0x0, v0;
	v1 =	vsel vm0, $0x2200, v1  }
0x4: {  	s3 =	stileid.u32;
	s2 =	rddreg [dreg:$0x1];
	vm15 =	vcmask $0x1310;
	v0 =	vsel vm1, $0x88, v0;
	v1 =	vsel vm1, $0x2288, v1  }
0x5: {  	vm6 =	vcmask $0x1714;
	s15 =	simm.s32 $0x80;
	s23 =	simm.s32 $0x1;
	s24 =	simm.s32 $0x4;
	v0 =	vsel vm2, $0x110, v0;
	v1 =	vsel vm2, $0x2310, v1  }
0x6: {  	vm7 =	vcmask $0x1B18;
	s13 =	simm.s32 $0x2;
	s1 =	sand.u32 $0x1, s1;
	s4 =	sshll.u32 s3, $0x1;
	v0 =	vsel vm3, $0x198, v0;
	v1 =	vsel vm3, $0x2398, v1  }
0x7: {  	vm8 =	vcmask $0x1F1C;
	s16 =	simm.s32 $0xC800;
	s3 =	simm.s32 $0x0;
	s6 =	sor.u32 s1, s4;
	v0 =	vsel vm15, $0x220, v0;
	v1 =	vsel vm15, $0x2420, v1  }
0x8: {  	vm9 =	vcmask $0x2320;
	[smem:$0x7FF] =	sst s3;
	s1 =	ssub.s32 $0x2, s1;
	s4 =	smul.u32 $0x6400, s6;
	v0 =	vsel vm6, $0x2A8, v0;
	v1 =	vsel vm6, $0x24A8, v1  }
0x9: {  	_ =	strace $0x80000047;
	s5 =	sshll.u32 s6, $0xA;
	s6 =	smul.u32 $0x32, s6;
	v0 =	vsel vm7, $0x330, v0;
	v1 =	vsel vm7, $0x2530, v1  }
0xa: {  	vm10 =	vcmask $0x2724;
	s28 =	sshrl.u32 s1, $0x1;
	s8 =	sand.u32 $0xC00, s5;
	s5 =	sadd.s32 $0xF42C00, s0;
	v0 =	vsel vm8, $0x3B8, v0;
	v1 =	vsel vm8, $0x25B8, v1  }
0xb: {  	vm11 =	vcmask $0x2B28;
	s7 =	sand.u32 $0xFF000, s4;
	s4 =	sadd.s32 $0x800, s0;
	s0 =	sadd.s32 $0x19800, s0;
	v0 =	vsel vm9, $0x1100, v0;
	v1 =	vsel vm9, $0x3300, v1  }
0xc: {  	vm12 =	vcmask $0x2F2C;
	s30 =	sadd.s32 $0x2, s6;
	s31 =	sadd.s32 $0x3, s6;
	[dreg:$0x3] =	wrdreg s0;
	v0 =	vsel vm10, $0x1188, v0;
	v1 =	vsel vm10, $0x3388, v1  }
0xd: {  	vm13 =	vcmask $0x3330;
	s7 =	sor.u32 s8, s7;
	s0 =	ssub.s32 s1, s28;
	[dreg:$0x6] =	wrdreg s30;
	v0 =	vsel vm11, $0x1210, v0;
	v1 =	vsel vm11, $0x3410, v1  }
0xe: {  	vm14 =	vcmask $0x3734;
	[dreg:$0x7] =	wrdreg s31;
	s7 =	sshrl.u32 s7, $0x3;
	s0 =	smax.u32 s0, $0x1;
	v0 =	vsel vm12, $0x1298, v0;
	v1 =	vsel vm12, $0x3498, v1  }
0xf: {  	v2 =	vimm.s32 $0x0;
	s17 =	simm.s32 $0x5;
	s7 =	sadd.s32 s4, s7;
	[dreg:$0x8] =	wrdreg s0;
	v0 =	vsel vm13, $0x1320, v0;
	v1 =	vsel vm13, $0x3520, v1  }
0x10: {  	s18 =	simm.s32 $0x6;
	vm15 =	vcmask $0x3B38;
	[dreg:$0x4] =	wrdreg s7;
	s29 =	sadd.s32 $0x40, s7;
	v0 =	vsel vm14, $0x13A8, v0;
	v3 =	vsel vm14, $0x35A8, v1  }
0x11: {  	s0 =	simm.s32 $0x8400;
	s7 =	simm.s32 $0x0;
	[dreg:$0x5] =	wrdreg s29;
	v1 =	vsel vm0, $0x3, v2;
	v0 =	vsel vm15, $0x1430, v0;
	v2 =	vsel vm15, $0x3630, v3  }
.LBB2_1:
0x12: {  	[dreg:$0x9] =	wrdreg s7  }
0x13: {  	s1 =	rddreg [dreg:$0x3];
	s14 =	simm.s32 $0x10C00;
	s19 =	simm.s32 $0x7  }
0x14: {  	[tilespmem:s14], [sflag:$0x7] =	stream.linear.gather [hbm4b:s1+s3], $0x1900, $0x38;
	[tilespmem:$0x12500] =	vst v63  }
0x15: {  	_ =	swait.ge [sflag:s19], $0x1900  }
0x16: {  	[sflag:s19] =	ssyncset.done $0x0  }
0x17: {  	s20 =	rddreg [dreg:$0x4];
	[sflag:s19] =	ssyncadd.s32 $0xFFFFE700  }
0x18: {  	[tilespmem:s3], [sflag:$0x7] =	stream.linear.gather [hbm4b:s20+s3], $0x200, $0x38;
	[tilespmem:$0x12500] =	vst v63  }
0x19: {  	_ =	swait.ge [sflag:s19], $0x200  }
0x1a: {  	[sflag:s19] =	ssyncset.done $0x0  }
0x1b: {  	s21 =	simm.s32 $0x400;
	[sflag:s19] =	ssyncadd.s32 $0xFFFFFE00  }
0x1c: {  	[tilespmem:s21], [sflag:$0x1] =	stream.indirect.gather [hbm4b:s5+s15], $0x20, s3, s15, $0xb8;
	[tilespmem:$0x12500] =	vst v63  }
0x1d: {  	s22 =	simm.s32 $0x1400  }
0x1e: {  	[tilespmem:s22], [sflag:$0x1] =	stream.indirect.gather [hbm4b:s5+s15], $0x20, s15, s15, $0xb8;
	[tilespmem:$0x12500] =	vst v63  }
0x1f: {  	s25 =	simm.s32 $0x100;
	s26 =	simm.s32 $0x2400  }
0x20: {  	[tilespmem:s26], [sflag:$0x1] =	stream.indirect.gather [hbm4b:s5+s15], $0x20, s25, s15, $0xb8;
	[tilespmem:$0x12500] =	vst v63  }
0x21: {  	s28 =	simm.s32 $0x180;
	s29 =	simm.s32 $0x3400  }
0x22: {  	[tilespmem:s29], [sflag:$0x1] =	stream.indirect.gather [hbm4b:s5+s15], $0x20, s28, s15, $0xb8;
	[tilespmem:$0x12500] =	vst v63  }
0x23: {  	s31 =	simm.s32 $0x200;
	s20 =	simm.s32 $0x0;
	s30 =	rddreg [dreg:$0x5]  }
0x24: {  	[tilespmem:s31], [sflag:$0x4] =	stream.linear.gather [hbm4b:s30+s3], $0x200, $0x38;
	[tilespmem:$0x12500] =	vst v63  }
.LBB2_2:
0x25: {  	_ =	swait.ge [sflag:s23], $0x1000  }
0x26: {  	[sflag:s23] =	ssyncset.done $0x0  }
0x27: {  	[sflag:s23] =	ssyncadd.s32 $0xFFFFF000  }
0x28: {  	_ =	swait.ge [sflag:s23], $0x1000  }
0x29: {  	[sflag:s23] =	ssyncset.done $0x0  }
0x2a: {  	[sflag:s23] =	ssyncadd.s32 $0xFFFFF000  }
0x2b: {  	_ =	swait.ge [sflag:s23], $0x1000  }
0x2c: {  	[sflag:s23] =	ssyncset.done $0x0  }
0x2d: {  	[sflag:s23] =	ssyncadd.s32 $0xFFFFF000  }
0x2e: {  	_ =	swait.ge [sflag:s23], $0x1000  }
0x2f: {  	[sflag:s23] =	ssyncset.done $0x0  }
0x30: {  	[sflag:s23] =	ssyncadd.s32 $0xFFFFF000  }
0x31: {  	s1 =	simm.s32 $0x200;
	s7 =	simm.s32 $0x4400;
	_ =	swait.ge [sflag:s24], $0x200  }
0x32: {  	s25 =	simm.s32 $0x280;
	s26 =	simm.s32 $0x5400;
	[sflag:s24] =	ssyncset.done $0x0  }
0x33: {  	s28 =	simm.s32 $0x300;
	p0 =	seq.s32 s20, $0x18;
	[sflag:s24] =	ssyncadd.s32 $0xFFFFFE00  }
0x34: {  	[tilespmem:s7], [sflag:$0x2] =	stream.indirect.gather [hbm4b:s5+s15], $0x20, s1, s15, $0xb8;
	[tilespmem:$0x12500] =	vst v63  }
0x35: {  	s21 =	sshll.u32 s20, $0x1;
	p1 =	seq.s32 @!p0 s20, $0x0;
	s1 =	rddreg [dreg:$0x6]  }
0x36: {  	[tilespmem:s26], [sflag:$0x2] =	stream.indirect.gather [hbm4b:s5+s15], $0x20, s25, s15, $0xb8;
	[tilespmem:$0x12500] =	vst v63  }
0x37: {  	s29 =	simm.s32 $0x6400;
	p1 =	por p0, !p1;
	s7 =	sadd.s32 @!p0 s21, s1  }
0x38: {  	[tilespmem:s29], [sflag:$0x2] =	stream.indirect.gather [hbm4b:s5+s15], $0x20, s28, s15, $0xb8;
	[tilespmem:$0x12500] =	vst v63  }
.Ltmp0:
0x39: {  	s7 =	sshll.u32 @!p0 s7, $0x6;
	(pc) =	sbr.rel @!p1 .LBB2_3-.Ltmp0, $4  }
0x3a: {  	s30 =	simm.s32 $0x380;
	s31 =	simm.s32 $0x7400;
	s7 =	sand.u32 @!p0 $0xFFFFF80, s7  }
0x3b: {  	[tilespmem:s31], [sflag:$0x2] =	stream.indirect.gather [hbm4b:s5+s15], $0x20, s30, s15, $0xb8;
	[tilespmem:$0x12500] =	vst v63  }
0x3c: {  	s8 =	simm.s32 @!p0 $0x0;
	s7 =	sadd.s32 @!p0 s4, s7  }
0x3d: {  	[tilespmem:s8], [sflag:$0x3] =	stream.linear.gather @!p0 [hbm4b:s7+s8], $0x200, $0x38;
	[tilespmem:$0x12500] =	vst v63  }
0x3e: {  	_ =	swait.ge [sflag:s17], $0x1000  }
0x3f: {  	[sflag:s17] =	ssyncset.done $0x0  }
0x40: {  	[sflag:s17] =	ssyncadd.s32 $0xFFFFF000  }
0x41: {  	_ =	swait.ge [sflag:s17], $0x1000  }
0x42: {  	[sflag:s17] =	ssyncset.done $0x0  }
0x43: {  	[sflag:s17] =	ssyncadd.s32 $0xFFFFF000  }
0x44: {  	_ =	swait.ge [sflag:s17], $0x1000  }
.Ltmp1:
0x45: {  	[sflag:s17] =	ssyncset.done $0x0;
	(pc) =	sbr.rel .LBB2_5-.Ltmp1, $4  }
0x46: {  	[sflag:s17] =	ssyncadd.s32 $0xFFFFF000  }
0x47: {  	_ =	swait.ge [sflag:s17], $0x1000  }
0x48: {  	[sflag:s17] =	ssyncset.done $0x0  }
0x49: {  	p1 =	por $0x0, $0x0;
	[sflag:s17] =	ssyncadd.s32 $0xFFFFF000  }
.LBB2_3:
0x4a: {  	p1 =	por @!p0 $0x1, $0x1  }
.LBB2_5:
0x4b: {  	s9 =	simm.s32 $0x0;
	s7 =	simm.s32 $0x8  }
0x4c: {  	s8 =	simm.s32 $0x1;
	s12 =	simm.s32 $0x2;
	s14 =	simm.s32 $0x3  }
0x4d: {  	s19 =	simm.s32 $0x4;
	s25 =	simm.s32 $0x5;
	s26 =	simm.s32 $0x6  }
0x4e: {  	s29 =	simm.s32 $0x7;
	s30 =	simm.s32 $0x9;
	s31 =	simm.s32 $0xA  }
0x4f: {  	s22 =	simm.s32 $0xB;
	s28 =	sand.u32 $0x70, s9;
	s7 =	sand.u32 $0x78, s7  }
0x50: {  	s8 =	sand.u32 $0x70, s8;
	s12 =	sand.u32 $0x70, s12;
	s14 =	sand.u32 $0x70, s14;
	v3 =	vmov s28;
	v4 =	vmov s7  }
0x51: {  	s19 =	sand.u32 $0x70, s19;
	s10 =	sand.u32 $0x70, s25;
	s11 =	sand.u32 $0x70, s26;
	v5 =	vmov s8;
	v6 =	vmov s12;
	v7 =	vmov s14  }
0x52: {  	s1 =	sand.u32 $0x78, s31;
	s28 =	sand.u32 $0x70, s29;
	s29 =	sand.u32 $0x78, s30;
	v8 =	vmov s19;
	v9 =	vmov s10;
	v10 =	vmov s11  }
0x53: {  	s10 =	sand.u32 $0x78, s22;
	v13 =	vmov s1;
	v11 =	vmov s28;
	v12 =	vmov s29  }
0x54: {  	v14 =	vmov s10;
	v3 =	vshrl.u32 v3, $0x3;
	v4 =	vshrl.u32 v4, $0x3  }
0x55: {  	s30 =	simm.s32 $0xC;
	s11 =	simm.s32 $0xD;
	s22 =	simm.s32 $0xE;
	v5 =	vshrl.u32 v5, $0x3;
	v6 =	vshrl.u32 v6, $0x3;
	v7 =	vshrl.u32 v7, $0x3  }
0x56: {  	s12 =	sand.u32 $0x78, s30;
	s14 =	sand.u32 $0x78, s11;
	s25 =	sand.u32 $0x78, s22;
	v8 =	vshrl.u32 v8, $0x3;
	v9 =	vshrl.u32 v9, $0x3;
	v10 =	vshrl.u32 v10, $0x3  }
0x57: {  	v15 =	vmov s12;
	v16 =	vmov s14;
	v17 =	vmov s25  }
0x58: {  	v3 =	vshll.u32 v3, v1;
	v11 =	vshrl.u32 v11, $0x3;
	v12 =	vshrl.u32 v12, $0x3  }
0x59: {  	v18 =	vshll.u32 v5, v1;
	v4 =	vshll.u32 v4, v1;
	v5 =	vshrl.u32 v13, $0x3  }
0x5a: {  	v13 =	vshll.u32 v6, v1;
	v7 =	vshll.u32 v7, v1;
	v14 =	vshrl.u32 v14, $0x3  }
0x5b: {  	v8 =	vshll.u32 v8, v1;
	v9 =	vshll.u32 v9, v1;
	v10 =	vshll.u32 v10, v1  }
0x5c: {  	v15 =	vshrl.u32 v15, $0x3;
	v11 =	vshll.u32 v11, v1;
	v16 =	vshrl.u32 v16, $0x3  }
0x5d: {  	v12 =	vshll.u32 v12, v1;
	v19 =	vshll.u32 v5, v1;
	v6 =	vbroadcast v3, $0x0  }
0x5e: {  	s8 =	simm.s32 $0x0;
	v5 =	vbroadcast v4, $0x0;
	v4 =	vshll.u32 v14, v1;
	v14 =	vbroadcast v18, $0x0  }
0x5f: {  	s26 =	sand.u32 $0x18, s8;
	v17 =	vshrl.u32 v17, $0x3;
	v13 =	vbroadcast v13, $0x0;
	v18 =	vbroadcast v7, $0x0  }
0x60: {  	s28 =	simm.s32 $0xF;
	v8 =	vbroadcast v8, $0x0;
	v3 =	vmov s26;
	v10 =	vbroadcast v10, $0x0  }
0x61: {  	s29 =	sand.u32 $0x78, s28;
	v15 =	vshll.u32 v15, v1;
	v7 =	vshll.u32 v16, v1;
	v16 =	vbroadcast v9, $0x0  }
0x62: {  	s14 =	simm.s32 $0x500;
	v9 =	vmul.u32 $0x88, v3;
	v11 =	vbroadcast v11, $0x0;
	v3 =	vmov s29  }
0x63: {  	v24 =	vld [tilespmem:s14+$0xE0];
	v12 =	vbroadcast v12, $0x0;
	v19 =	vbroadcast v19, $0x0;
	v20 =	vshrl.u32 v3, $0x3  }
0x64: {  	v25 =	vld [tilespmem:s14+$0xF0];
	v22 =	vbroadcast v4, $0x0;
	v21 =	vbroadcast v9, $0x0;
	v9 =	vshll.u32 v20, v1  }
0x65: {  	v27 =	vld [tilespmem:s14+$0xFFFFFF00];
	v17 =	vshll.u32 v17, v1;
	v15 =	vbroadcast v15, $0x0;
	v20 =	vbroadcast v9, $0x0  }
0x66: {  	v28 =	vld [tilespmem:s14+$0xFFFFFF10];
	v23 =	vbroadcast v7, $0x0;
	v17 =	vbroadcast v17, $0x0;
	v9 =	vadd.s32 v0, v21  }
0x67: {  	v31 =	vld [tilespmem:s14+$0xFFFFFF20];
	v7 =	vadd.s32 v2, v21;
	v21 =	vadd.s32 v14, v9;
	v26 =	vadd.s32 v20, v9  }
0x68: {  	v34 =	vld [tilespmem:s14+$0xFFFFFF30];
	v14 =	vadd.s32 v14, v7;
	v20 =	vadd.s32 v20, v7;
	v29 =	vadd.s32 v13, v9  }
0x69: {  	s12 =	sadd.s32 s6, s21;
	v37 =	vld [tilespmem:s14+$0xFFFFFF40];
	v30 =	vadd.s32 v13, v7;
	v32 =	vadd.s32 v18, v9;
	v18 =	vadd.s32 v18, v7  }
0x6a: {  	s30 =	sshll.u32 s12, $0x2;
	v39 =	vld [tilespmem:s14+$0xFFFFFF50];
	v33 =	vadd.s32 v8, v9;
	v35 =	vadd.s32 v8, v7;
	v36 =	vadd.s32 v16, v9  }
0x6b: {  	v43 =	vld [tilespmem:s14+$0xFFFFFF60];
	s31 =	sand.u32 $0x3FFFFFE0, s30;
	v16 =	vadd.s32 v16, v7;
	v38 =	vadd.s32 v10, v9;
	v40 =	vadd.s32 v10, v7  }
0x6c: {  	v3 =	vld [tilespmem:s31+$0x10C00];
	v41 =	vadd.s32 v11, v9;
	v11 =	vadd.s32 v11, v7;
	v44 =	vadd.s32 v12, v9  }
0x6d: {  	v45 =	vld [tilespmem:s14+$0xFFFFFF70];
	v12 =	vadd.s32 v12, v7;
	v46 =	vadd.s32 v19, v9;
	v48 =	vadd.s32 v22, v9  }
0x6e: {  	v4 =	vld [tilespmem:s31+$0x10C10];
	v49 =	vadd.s32 v22, v7;
	v50 =	vadd.s32 v15, v9;
	v26 =	vor.u32 $0x7, v26  }
0x6f: {  	v47 =	vld [tilespmem:s14+$0xFFFFFF80];
	v51 =	vadd.s32 v15, v7;
	v52 =	vadd.s32 v23, v9;
	v21 =	vor.u32 $0x1, v21  }
0x70: {  	v22 =	vld [tilespmem:s14+$0xFFFFFF90];
	v15 =	vadd.s32 v17, v9;
	v13 =	vadd.s32 v17, v7;
	v20 =	vor.u32 $0x7, v20  }
0x71: {  	v24 =	vadd.f32 v24, v3;
	v42 =	vor.u32 $0x1, v14;
	v14 =	vadd.s32 v23, v7;
	v23 =	vld [tilespmem:s14+$0xFFFFFFA0]  }
0x72: {  	v63 =	vld [tilespmem:s14+$0x20];
	v8 =	vadd.f32 v27, v3;
	v17 =	vadd.f32 v31, v3;
	v27 =	vor.u32 $0x2, v29  }
0x73: {  	v57 =	vld [tilespmem:s14+$0xFFFFFFE0];
	v19 =	vadd.s32 v19, v7;
	v25 =	vadd.f32 v25, v4;
	v36 =	vor.u32 $0x5, v36;
	[tilespmem:v26+s0+$0x0] =	vst.idx.msk $0xffff, v24  }
0x74: {  	v10 =	vadd.f32 v28, v4;
	v28 =	vld [tilespmem:s14+$0xFFFFFFB0];
	v29 =	vor.u32 $0x2, v30;
	v24 =	vadd.f32 v34, v4;
	[tilespmem:v21+s0+$0x0] =	vst.idx.msk $0xffff, v17  }
0x75: {  	v30 =	vld [tilespmem:s14+$0xFFFFFFC0];
	v55 =	vor.u32 $0x3, v32;
	v18 =	vor.u32 $0x3, v18;
	v26 =	vadd.f32 v37, v3;
	[tilespmem:v20+s0+$0x0] =	vst.idx.msk $0xffff, v25  }
0x76: {  	v56 =	vld [tilespmem:s14+$0xFFFFFFD0];
	v16 =	vor.u32 $0x5, v16;
	v58 =	vadd.f32 v22, v4;
	v59 =	vadd.f32 v23, v3;
	[tilespmem:v42+s0+$0x0] =	vst.idx.msk $0xffff, v24  }
0x77: {  	v61 =	vld [tilespmem:s14+$0x0];
	v22 =	vor.u32 $0x4, v33;
	v33 =	vadd.f32 v63, v3;
	v20 =	vadd.f32 v39, v4;
	[tilespmem:v27+s0+$0x0] =	vst.idx.msk $0xffff, v26  }
0x78: {  	v35 =	vor.u32 $0x4, v35;
	v17 =	vadd.f32 v45, v4;
	v25 =	vadd.f32 v43, v3;
	[tilespmem:v36+s0+$0x0] =	vst.idx.msk $0xffff, v59  }
0x79: {  	v62 =	vld [tilespmem:s14+$0x10];
	v32 =	vor.u32 $0x6, v38;
	v21 =	vadd.f32 v47, v3;
	v60 =	vadd.f32 v28, v4;
	[tilespmem:v29+s0+$0x0] =	vst.idx.msk $0xffff, v20  }
0x7a: {  	v23 =	vld [tilespmem:s14+$0xFFFFFFF0];
	v31 =	vadd.f32 v30, v3;
	v30 =	vor.u32 $0x6, v40;
	v28 =	vadd.f32 v57, v3;
	[tilespmem:v55+s0+$0x0] =	vst.idx.msk $0xffff, v25  }
0x7b: {  	v38 =	vld [tilespmem:s14+$0x30];
	v26 =	vor.u32 $0x7, v41;
	v24 =	vor.u32 $0x1, v44;
	v29 =	vadd.f32 v56, v4;
	[tilespmem:v16+s0+$0x0] =	vst.idx.msk $0xffff, v60  }
0x7c: {  	v37 =	vld [tilespmem:s14+$0x40];
	v25 =	vor.u32 $0x7, v11;
	v11 =	vadd.f32 v61, v3;
	v20 =	vor.u32 $0x3, v48;
	[tilespmem:v18+s0+$0x0] =	vst.idx.msk $0xffff, v17  }
0x7d: {  	v34 =	vld [tilespmem:s14+$0x50];
	v16 =	vor.u32 $0x5, v52;
	[tilespmem:v22+s0+$0x0] =	vst.idx.msk $0xffff, v21;
	v22 =	vor.u32 $0x2, v46;
	v21 =	vor.u32 $0x2, v19  }
0x7e: {  	v19 =	vor.u32 $0x3, v49;
	v17 =	vor.u32 $0x4, v50;
	v18 =	vor.u32 $0x4, v51;
	[tilespmem:v35+s0+$0x0] =	vst.idx.msk $0xffff, v58;
	v35 =	vld [tilespmem:s14+$0x60]  }
0x7f: {  	s7 =	sshllo.u32 s20, $0x1;
	s19 =	sshrl.u32 s12, $0x3;
	v36 =	vld [tilespmem:s14+$0x70];
	v27 =	vadd.f32 v23, v4;
	v23 =	vor.u32 $0x1, v12;
	v12 =	vadd.f32 v62, v4  }
.LBB2_6:
0x80: {  	s26 =	sadd.s32 $0x18, s9;
	[tilespmem:v32+s0+$0x0] =	vst.idx.msk $0xffff, v31;
	v31 =	vadd.f32 v38, v4;
	v32 =	vld [tilespmem:s14+$0x80];
	v14 =	vor.u32 $0x5, v14;
	v15 =	vor.u32 $0x6, v15;
	s25 =	smov.u32 s9;
	s9 =	sadd.s32 $0x10, s9  }
0x81: {  	v38 =	vadd.s32 v6, v9;
	v13 =	vor.u32 $0x6, v13;
	s28 =	sadd.s32 $0x11, s25;
	s29 =	sadd.s32 $0x12, s25;
	s30 =	sadd.s32 $0x13, s25;
	[tilespmem:v30+s0+$0x0] =	vst.idx.msk $0xffff, v29;
	v29 =	vadd.f32 v37, v3;
	v30 =	vld [tilespmem:s14+$0x90]  }
0x82: {  	v6 =	vadd.s32 v6, v7;
	v9 =	vadd.s32 v5, v9;
	s31 =	sadd.s32 $0x14, s25;
	s1 =	sadd.s32 $0x15, s25;
	s22 =	sadd.s32 $0x16, s25;
	v34 =	vadd.f32 v34, v4;
	v37 =	vld [tilespmem:s14+$0xA0]  }
0x83: {  	v7 =	vadd.s32 v5, v7;
	s10 =	sand.u32 $0x70, s9;
	s11 =	sadd.s32 $0x17, s25;
	s26 =	sand.u32 $0x78, s26;
	[tilespmem:v26+s0+$0x0] =	vst.idx.msk $0xffff, v28;
	v5 =	vadd.f32 v35, v3;
	v26 =	vld [tilespmem:s14+$0xB0]  }
0x84: {  	v28 =	vmov s10;
	s10 =	sand.u32 $0x70, s28;
	s28 =	sand.u32 $0x70, s29;
	v35 =	vmov s26;
	s26 =	sadd.s32 $0x19, s25;
	[tilespmem:v25+s0+$0x0] =	vst.idx.msk $0xffff, v27;
	v25 =	vadd.f32 v36, v4;
	v27 =	vld [tilespmem:s14+$0xC0]  }
0x85: {  	s29 =	sadd.s32 $0x1A, s25;
	v36 =	vmov s10;
	v39 =	vmov s28;
	s10 =	sand.u32 $0x70, s30;
	s28 =	sand.u32 $0x70, s31;
	[tilespmem:v24+s0+$0x0] =	vst.idx.msk $0xffff, v33;
	v24 =	vadd.f32 v32, v3;
	v32 =	vld [tilespmem:s14+$0xD0]  }
0x86: {  	s1 =	sand.u32 $0x70, s1;
	v33 =	vmov s10;
	v40 =	vmov s28;
	s10 =	sand.u32 $0x70, s22;
	s22 =	sadd.s32 $0x1B, s25;
	[tilespmem:v23+s0+$0x0] =	vst.idx.msk $0xffff, v31;
	v23 =	vadd.f32 v30, v4  }
0x87: {  	v30 =	vmov s1;
	v31 =	vmov s10;
	s1 =	sand.u32 $0x70, s11;
	s10 =	sand.u32 $0x78, s26;
	s11 =	sadd.s32 $0x1C, s25;
	[tilespmem:v22+s0+$0x0] =	vst.idx.msk $0xffff, v29;
	v22 =	vadd.f32 v37, v3  }
0x88: {  	v29 =	vmov s1;
	v37 =	vmov s10;
	s1 =	sand.u32 $0x78, s29;
	s10 =	sand.u32 $0x78, s22;
	s22 =	sadd.s32 $0x1D, s25;
	[tilespmem:v21+s0+$0x0] =	vst.idx.msk $0xffff, v34;
	v21 =	vadd.f32 v26, v4  }
0x89: {  	v26 =	vmov s1;
	v34 =	vmov s10;
	s1 =	sand.u32 $0x78, s11;
	s10 =	sand.u32 $0x78, s22;
	s11 =	sadd.s32 $0x1E, s25;
	[tilespmem:v20+s0+$0x0] =	vst.idx.msk $0xffff, v5;
	v5 =	vadd.f32 v27, v3  }
0x8a: {  	p2 =	slt.u32 s9, $0x1F0;
	v20 =	vmov s1;
	v27 =	vmov s10;
	s1 =	sand.u32 $0x78, s11;
	[tilespmem:v19+s0+$0x0] =	vst.idx.msk $0xffff, v25;
	v19 =	vadd.f32 v32, v4  }
0x8b: {  	v25 =	vshrl.u32 v28, $0x3;
	v28 =	vshrl.u32 v35, $0x3;
	v32 =	vmov s1;
	[tilespmem:v17+s0+$0x0] =	vst.idx.msk $0xffff, v24  }
0x8c: {  	v33 =	vshrl.u32 v33, $0x3;
	v17 =	vshrl.u32 v36, $0x3;
	v24 =	vshrl.u32 v39, $0x3;
	[tilespmem:v18+s0+$0x0] =	vst.idx.msk $0xffff, v23  }
0x8d: {  	v18 =	vshrl.u32 v40, $0x3;
	v23 =	vshrl.u32 v30, $0x3;
	v30 =	vshrl.u32 v31, $0x3;
	[tilespmem:v16+s0+$0x0] =	vst.idx.msk $0xffff, v22  }
0x8e: {  	v16 =	vshll.u32 v25, v1;
	v22 =	vshrl.u32 v29, $0x3;
	v25 =	vshrl.u32 v37, $0x3;
	[tilespmem:v14+s0+$0x0] =	vst.idx.msk $0xffff, v21  }
0x8f: {  	v14 =	vshll.u32 v17, v1;
	v17 =	vshll.u32 v28, v1;
	v21 =	vshrl.u32 v26, $0x3;
	[tilespmem:v15+s0+$0x0] =	vst.idx.msk $0xffff, v5  }
0x90: {  	v26 =	vshrl.u32 v34, $0x3;
	v15 =	vshll.u32 v24, v1;
	v24 =	vshll.u32 v33, v1;
	[tilespmem:v13+s0+$0x0] =	vst.idx.msk $0xffff, v19  }
0x91: {  	v13 =	vshll.u32 v18, v1;
	v18 =	vshll.u32 v23, v1;
	v19 =	vshrl.u32 v20, $0x3;
	[tilespmem:v38+s0+$0x0] =	vst.idx.msk $0xffff, v8  }
0x92: {  	v20 =	vshll.u32 v22, v1;
	v22 =	vshrl.u32 v27, $0x3;
	v8 =	vshll.u32 v30, v1;
	[tilespmem:v6+s0+$0x0] =	vst.idx.msk $0xffff, v10  }
0x93: {  	v21 =	vshll.u32 v21, v1;
	v23 =	vshrl.u32 v32, $0x3;
	v10 =	vshll.u32 v25, v1;
	[tilespmem:v9+s0+$0x0] =	vst.idx.msk $0xffff, v11  }
0x94: {  	v5 =	vbroadcast v17, $0x0;
	v6 =	vbroadcast v16, $0x0;
	v9 =	vshll.u32 v26, v1;
	[tilespmem:v7+s0+$0x0] =	vst.idx.msk $0xffff, v12  }
0x95: {  	s8 =	sadd.s32 $0x1, s8;
	v11 =	vbroadcast v14, $0x0;
	v12 =	vbroadcast v15, $0x0;
	v7 =	vshll.u32 v19, v1  }
0x96: {  	s10 =	sadd.s32 $0x1F, s25;
	s1 =	sand.u32 $0x18, s8;
	v13 =	vbroadcast v13, $0x0;
	v14 =	vbroadcast v24, $0x0;
	v15 =	vshll.u32 v22, v1  }
0x97: {  	v17 =	vbroadcast v18, $0x0;
	v16 =	vmov s1;
	v8 =	vbroadcast v8, $0x0;
	s1 =	sand.u32 $0x78, s10  }
0x98: {  	v18 =	vbroadcast v20, $0x0;
	v16 =	vmul.u32 $0x88, v16;
	v19 =	vmov s1  }
0x99: {  	v20 =	vbroadcast v21, $0x0;
	v10 =	vbroadcast v10, $0x0;
	v19 =	vshrl.u32 v19, $0x3  }
0x9a: {  	v21 =	vbroadcast v9, $0x0;
	v16 =	vbroadcast v16, $0x0;
	v9 =	vshll.u32 v19, v1  }
0x9b: {  	s14 =	sadd.s32 $0x200, s14;
	v19 =	vbroadcast v7, $0x0;
	v7 =	vshll.u32 v23, v1;
	v22 =	vbroadcast v9, $0x0  }
0x9c: {  	v15 =	vbroadcast v15, $0x0;
	v9 =	vadd.s32 v0, v16;
	v23 =	vbroadcast v7, $0x0;
	v24 =	vld [tilespmem:s14+$0xE0]  }
0x9d: {  	v7 =	vadd.s32 v2, v16;
	v16 =	vadd.s32 v11, v9;
	v26 =	vadd.s32 v22, v9;
	v25 =	vld [tilespmem:s14+$0xF0]  }
0x9e: {  	v11 =	vadd.s32 v11, v7;
	v22 =	vadd.s32 v22, v7;
	v26 =	vor.u32 $0x7, v26;
	v27 =	vld [tilespmem:s14+$0xFFFFFF00]  }
0x9f: {  	v29 =	vadd.s32 v12, v9;
	v12 =	vadd.s32 v12, v7;
	v22 =	vor.u32 $0x7, v22;
	v28 =	vld [tilespmem:s14+$0xFFFFFF10]  }
0xa0: {  	v31 =	vadd.s32 v14, v9;
	v32 =	vadd.s32 v14, v7;
	v33 =	vadd.s32 v13, v9;
	v30 =	vld [tilespmem:s14+$0xFFFFFF20]  }
0xa1: {  	v35 =	vadd.s32 v13, v7;
	v36 =	vadd.s32 v17, v9;
	v34 =	vld [tilespmem:s14+$0xFFFFFF30];
	v13 =	vadd.f32 v24, v3  }
0xa2: {  	v17 =	vadd.s32 v17, v7;
	v37 =	vadd.s32 v8, v9;
	v24 =	vld [tilespmem:s14+$0xFFFFFF40];
	v14 =	vadd.f32 v25, v4  }
0xa3: {  	v38 =	vadd.s32 v8, v7;
	v39 =	vadd.s32 v18, v9;
	v16 =	vor.u32 $0x1, v16;
	v25 =	vld [tilespmem:s14+$0xFFFFFF50];
	[tilespmem:v26+s0+$0x0] =	vst.idx.msk $0xffff, v13  }
0xa4: {  	v18 =	vadd.s32 v18, v7;
	v40 =	vadd.s32 v10, v9;
	v11 =	vor.u32 $0x1, v11;
	v26 =	vld [tilespmem:s14+$0xFFFFFF60];
	[tilespmem:v22+s0+$0x0] =	vst.idx.msk $0xffff, v14  }
0xa5: {  	v41 =	vadd.s32 v10, v7;
	v42 =	vadd.s32 v20, v9;
	v20 =	vadd.s32 v20, v7;
	v22 =	vld [tilespmem:s14+$0xFFFFFF70]  }
0xa6: {  	v44 =	vadd.s32 v21, v9;
	v45 =	vadd.s32 v21, v7;
	v46 =	vadd.s32 v19, v9;
	v43 =	vld [tilespmem:s14+$0xFFFFFF80]  }
0xa7: {  	v47 =	vadd.s32 v19, v7;
	v48 =	vadd.s32 v15, v9;
	v14 =	vadd.s32 v15, v7;
	v21 =	vld [tilespmem:s14+$0xFFFFFF90]  }
0xa8: {  	v8 =	vadd.f32 v27, v3;
	v13 =	vadd.s32 v23, v7;
	v15 =	vadd.s32 v23, v9;
	v19 =	vld [tilespmem:s14+$0xFFFFFFA0]  }
0xa9: {  	v27 =	vor.u32 $0x2, v29;
	v10 =	vadd.f32 v28, v4;
	v23 =	vadd.f32 v30, v3;
	v28 =	vld [tilespmem:s14+$0xFFFFFFB0]  }
0xaa: {  	v12 =	vor.u32 $0x2, v12;
	v29 =	vadd.f32 v34, v4;
	v24 =	vadd.f32 v24, v3;
	v30 =	vld [tilespmem:s14+$0xFFFFFFC0]  }
0xab: {  	[tilespmem:v16+s0+$0x0] =	vst.idx.msk $0xffff, v23;
	v16 =	vadd.f32 v25, v4;
	v23 =	vadd.f32 v26, v3;
	v25 =	vor.u32 $0x3, v31;
	v26 =	vld [tilespmem:s14+$0xFFFFFFD0]  }
0xac: {  	v34 =	vadd.f32 v43, v3;
	[tilespmem:v11+s0+$0x0] =	vst.idx.msk $0xffff, v29;
	v11 =	vadd.f32 v22, v4;
	v22 =	vor.u32 $0x3, v32;
	v43 =	vld [tilespmem:s14+$0xFFFFFFE0]  }
0xad: {  	v33 =	vor.u32 $0x4, v33;
	v21 =	vadd.f32 v21, v4;
	v19 =	vadd.f32 v19, v3;
	v49 =	vld [tilespmem:s14+$0xFFFFFFF0]  }
0xae: {  	v35 =	vor.u32 $0x4, v35;
	v36 =	vor.u32 $0x5, v36;
	[tilespmem:v27+s0+$0x0] =	vst.idx.msk $0xffff, v24;
	v50 =	vadd.f32 v28, v4;
	v51 =	vld [tilespmem:s14+$0x0]  }
0xaf: {  	v32 =	vor.u32 $0x6, v37;
	[tilespmem:v12+s0+$0x0] =	vst.idx.msk $0xffff, v16;
	v16 =	vor.u32 $0x5, v17;
	v31 =	vadd.f32 v30, v3;
	v12 =	vld [tilespmem:s14+$0x10]  }
0xb0: {  	v30 =	vor.u32 $0x6, v38;
	[tilespmem:v25+s0+$0x0] =	vst.idx.msk $0xffff, v23;
	v29 =	vadd.f32 v26, v4;
	v26 =	vor.u32 $0x7, v39;
	v39 =	vld [tilespmem:s14+$0x20]  }
.Ltmp2:
0xb1: {  	v24 =	vor.u32 $0x1, v40;
	v25 =	vor.u32 $0x7, v18;
	[tilespmem:v22+s0+$0x0] =	vst.idx.msk $0xffff, v11;
	v28 =	vadd.f32 v43, v3;
	v38 =	vld [tilespmem:s14+$0x30];
	(pc) =	sbr.rel @p2 .LBB2_6-.Ltmp2, $4  }
0xb2: {  	v23 =	vor.u32 $0x1, v41;
	v22 =	vor.u32 $0x2, v42;
	[tilespmem:v33+s0+$0x0] =	vst.idx.msk $0xffff, v34;
	v27 =	vadd.f32 v49, v4;
	v37 =	vld [tilespmem:s14+$0x40]  }
0xb3: {  	[tilespmem:v35+s0+$0x0] =	vst.idx.msk $0xffff, v21;
	v11 =	vadd.f32 v51, v3;
	v34 =	vld [tilespmem:s14+$0x50];
	v21 =	vor.u32 $0x2, v20;
	v20 =	vor.u32 $0x3, v44  }
0xb4: {  	v17 =	vor.u32 $0x4, v46;
	[tilespmem:v36+s0+$0x0] =	vst.idx.msk $0xffff, v19;
	v12 =	vadd.f32 v12, v4;
	v35 =	vld [tilespmem:s14+$0x60];
	v19 =	vor.u32 $0x3, v45  }
0xb5: {  	v18 =	vor.u32 $0x4, v47;
	[tilespmem:v16+s0+$0x0] =	vst.idx.msk $0xffff, v50;
	v33 =	vadd.f32 v39, v3;
	v36 =	vld [tilespmem:s14+$0x70];
	v16 =	vor.u32 $0x5, v48  }
0xb6: {  	_ =	sdelay $0x3  }
0xb7: {  	[tilespmem:v32+s0+$0x0] =	vst.idx.msk $0xffff, v31  }
0xb8: {  	[tilespmem:v26+s0+$0x0] =	vst.idx.msk $0xffff, v28  }
0xb9: {  	[tilespmem:v30+s0+$0x0] =	vst.idx.msk $0xffff, v29  }
0xba: {  	v44 =	vadd.f32 v38, v4;
	[tilespmem:v25+s0+$0x0] =	vst.idx.msk $0xffff, v27  }
0xbb: {  	v58 =	vadd.s32 v6, v9;
	v46 =	vadd.f32 v37, v3;
	[tilespmem:v24+s0+$0x0] =	vst.idx.msk $0xffff, v33  }
0xbc: {  	v61 =	vadd.s32 v5, v9;
	v48 =	vadd.f32 v34, v4;
	[tilespmem:v23+s0+$0x0] =	vst.idx.msk $0xffff, v44  }
0xbd: {  	v50 =	vadd.f32 v35, v3;
	[tilespmem:v22+s0+$0x0] =	vst.idx.msk $0xffff, v46  }
0xbe: {  	v45 =	vld [tilespmem:s14+$0x80];
	v60 =	vadd.s32 v6, v7;
	[tilespmem:v21+s0+$0x0] =	vst.idx.msk $0xffff, v48  }
0xbf: {  	v49 =	vld [tilespmem:s14+$0xA0];
	v63 =	vadd.s32 v5, v7;
	[tilespmem:v20+s0+$0x0] =	vst.idx.msk $0xffff, v50  }
0xc0: {  	v53 =	vld [tilespmem:s14+$0xC0];
	v52 =	vadd.f32 v36, v4;
	[tilespmem:v58+s0+$0x0] =	vst.idx.msk $0xffff, v8  }
0xc1: {  	v47 =	vld [tilespmem:s14+$0x90];
	[tilespmem:v61+s0+$0x0] =	vst.idx.msk $0xffff, v11  }
0xc2: {  	v51 =	vld [tilespmem:s14+$0xB0];
	v15 =	vor.u32 $0x6, v15;
	[tilespmem:v19+s0+$0x0] =	vst.idx.msk $0xffff, v52  }
0xc3: {  	v55 =	vld [tilespmem:s14+$0xD0];
	v54 =	vadd.f32 v45, v3;
	[tilespmem:v60+s0+$0x0] =	vst.idx.msk $0xffff, v10  }
0xc4: {  	v14 =	vor.u32 $0x5, v14;
	v57 =	vadd.f32 v49, v3;
	[tilespmem:v63+s0+$0x0] =	vst.idx.msk $0xffff, v12  }
0xc5: {  	v13 =	vor.u32 $0x6, v13;
	s1 =	sshll.u32 s12, $0xC;
	v3 =	vadd.f32 v53, v3;
	[tilespmem:v17+s0+$0x0] =	vst.idx.msk $0xffff, v54  }
0xc6: {  	s8 =	sshll.u32 s19, $0x11;
	s1 =	sand.u32 $0x6000, s1;
	v56 =	vadd.f32 v47, v4;
	[tilespmem:v16+s0+$0x0] =	vst.idx.msk $0xffff, v57  }
0xc7: {  	s1 =	sor.u32 s1, s8;
	v59 =	vadd.f32 v51, v4;
	[tilespmem:v15+s0+$0x0] =	vst.idx.msk $0xffff, v3  }
0xc8: {  	s8 =	sshrl.u32 s1, $0x3;
	v62 =	vadd.f32 v55, v4;
	[tilespmem:v18+s0+$0x0] =	vst.idx.msk $0xffff, v56  }
0xc9: {  	s12 =	simm.s32 $0x8400;
	s9 =	sadd.s32 s2, s8;
	[tilespmem:v14+s0+$0x0] =	vst.idx.msk $0xffff, v59  }
0xca: {  	s14 =	simm.s32 $0x10;
	s19 =	simm.s32 $0x8488;
	s25 =	sadd.s32 $0x0, s9;
	[tilespmem:v13+s0+$0x0] =	vst.idx.msk $0xffff, v62  }
.LBB2_8:
0xcb: {  	[hbm4b:s25+s3] =	stream.linear.scatter [tilespmem:s12], [sflag:$0x5], $0x80, $0x38;
	[tilespmem:$0x12500] =	vst v63  }
0xcc: {  	s1 =	smov.u32 s14;
	s12 =	smov.u32 s19;
	p2 =	sne.s32 s14, $0x1F0  }
.Ltmp3:
0xcd: {  	s14 =	sadd.s32 $0x10, s14;
	(pc) =	sbr.rel @p2 .LBB2_8-.Ltmp3, $2  }
0xce: {  	_ =	sdelay $0x2  }
0xcf: {  	s19 =	sadd.s32 $0x88, s19;
	s25 =	sadd.s32 s1, s9  }
0xd0: {  	[hbm4b:s25+s3] =	stream.linear.scatter [tilespmem:s12], [sflag:$0x5], $0x80, $0x38;
	[tilespmem:$0x12500] =	vst v63  }
0xd1: {  	s8 =	sadd.s32 s8, s2  }
0xd2: {  	s12 =	simm.s32 $0x9500;
	s9 =	sadd.s32 $0x1000, s8  }
0xd3: {  	s14 =	simm.s32 $0x10;
	s19 =	simm.s32 $0x9588;
	s25 =	sadd.s32 $0x0, s9  }
.LBB2_10:
0xd4: {  	[hbm4b:s25+s3] =	stream.linear.scatter [tilespmem:s12], [sflag:$0x5], $0x80, $0x38;
	[tilespmem:$0x12500] =	vst v63  }
0xd5: {  	s1 =	smov.u32 s14;
	s12 =	smov.u32 s19;
	p2 =	sne.s32 s14, $0x1F0  }
.Ltmp4:
0xd6: {  	s14 =	sadd.s32 $0x10, s14;
	(pc) =	sbr.rel @p2 .LBB2_10-.Ltmp4, $2  }
0xd7: {  	_ =	sdelay $0x2  }
0xd8: {  	s19 =	sadd.s32 $0x88, s19;
	s25 =	sadd.s32 s1, s9  }
0xd9: {  	[hbm4b:s25+s3] =	stream.linear.scatter [tilespmem:s12], [sflag:$0x5], $0x80, $0x38;
	[tilespmem:$0x12500] =	vst v63  }
0xda: {  	s9 =	sadd.s32 $0x2000, s8;
	s12 =	simm.s32 $0xA600  }
0xdb: {  	s14 =	simm.s32 $0x10;
	s19 =	simm.s32 $0xA688;
	s25 =	sadd.s32 $0x0, s9  }
.LBB2_12:
0xdc: {  	[hbm4b:s25+s3] =	stream.linear.scatter [tilespmem:s12], [sflag:$0x5], $0x80, $0x38;
	[tilespmem:$0x12500] =	vst v63  }
0xdd: {  	s1 =	smov.u32 s14;
	s12 =	smov.u32 s19;
	p2 =	sne.s32 s14, $0x1F0  }
.Ltmp5:
0xde: {  	s14 =	sadd.s32 $0x10, s14;
	(pc) =	sbr.rel @p2 .LBB2_12-.Ltmp5, $2  }
0xdf: {  	_ =	sdelay $0x2  }
0xe0: {  	s19 =	sadd.s32 $0x88, s19;
	s25 =	sadd.s32 s1, s9  }
0xe1: {  	[hbm4b:s25+s3] =	stream.linear.scatter [tilespmem:s12], [sflag:$0x5], $0x80, $0x38;
	[tilespmem:$0x12500] =	vst v63  }
0xe2: {  	s8 =	sadd.s32 $0x3000, s8;
	s9 =	simm.s32 $0xB700  }
0xe3: {  	s12 =	simm.s32 $0x10;
	s14 =	simm.s32 $0xB788;
	s19 =	sadd.s32 $0x0, s8  }
.LBB2_14:
0xe4: {  	[hbm4b:s19+s3] =	stream.linear.scatter [tilespmem:s9], [sflag:$0x5], $0x80, $0x38;
	[tilespmem:$0x12500] =	vst v63  }
0xe5: {  	s1 =	smov.u32 s12;
	s9 =	smov.u32 s14;
	p2 =	sne.s32 s12, $0x1F0  }
.Ltmp6:
0xe6: {  	s12 =	sadd.s32 $0x10, s12;
	(pc) =	sbr.rel @p2 .LBB2_14-.Ltmp6, $2  }
0xe7: {  	_ =	sdelay $0x2  }
0xe8: {  	s14 =	sadd.s32 $0x88, s14;
	s19 =	sadd.s32 s1, s8  }
0xe9: {  	[hbm4b:s19+s3] =	stream.linear.scatter [tilespmem:s9], [sflag:$0x5], $0x80, $0x38;
	[tilespmem:$0x12500] =	vst v63  }
0xea: {  	_ =	swait.ge [sflag:s13], $0x1000  }
0xeb: {  	[sflag:s13] =	ssyncset.done $0x0  }
0xec: {  	[sflag:s13] =	ssyncadd.s32 $0xFFFFF000  }
0xed: {  	_ =	swait.ge [sflag:s13], $0x1000  }
0xee: {  	[sflag:s13] =	ssyncset.done $0x0  }
0xef: {  	[sflag:s13] =	ssyncadd.s32 $0xFFFFF000  }
0xf0: {  	_ =	swait.ge [sflag:s13], $0x1000  }
0xf1: {  	[sflag:s13] =	ssyncset.done $0x0  }
0xf2: {  	[sflag:s13] =	ssyncadd.s32 $0xFFFFF000  }
0xf3: {  	_ =	swait.ge [sflag:s13], $0x1000  }
0xf4: {  	s1 =	simm.s32 @!p0 $0x3;
	[sflag:s13] =	ssyncset.done $0x0  }
0xf5: {  	s8 =	simm.s32 @!p0 $0x0;
	s9 =	simm.s32 @!p0 $0x400;
	[sflag:s13] =	ssyncadd.s32 $0xFFFFF000  }
0xf6: {  	s10 =	simm.s32 @!p0 $0x2400;
	s11 =	simm.s32 $0x3;
	_ =	swait.ge @!p0 [sflag:s1], $0x200  }
0xf7: {  	s12 =	simm.s32 $0x4;
	s14 =	simm.s32 $0x5;
	[sflag:s1] =	ssyncset.done @!p0 $0x0  }
0xf8: {  	s30 =	simm.s32 $0x6;
	[sflag:s1] =	ssyncadd.s32 @!p0 $0xFFFFFE00;
	s1 =	simm.s32 @!p0 $0x80  }
0xf9: {  	[tilespmem:s9], [sflag:$0x1] =	stream.indirect.gather @!p0 [hbm4b:s5+s1], $0x20, s8, s1, $0xb8;
	[tilespmem:$0x12500] =	vst v63  }
0xfa: {  	s22 =	simm.s32 $0x7;
	s25 =	simm.s32 $0x9;
	s9 =	simm.s32 @!p0 $0x1400  }
0xfb: {  	[tilespmem:s9], [sflag:$0x1] =	stream.indirect.gather @!p0 [hbm4b:s5+s1], $0x20, s1, s1, $0xb8;
	[tilespmem:$0x12500] =	vst v63  }
0xfc: {  	s11 =	sand.u32 $0x70, s11;
	s12 =	sand.u32 $0x70, s12;
	s9 =	simm.s32 @!p0 $0x100  }
0xfd: {  	[tilespmem:s10], [sflag:$0x1] =	stream.indirect.gather @!p0 [hbm4b:s5+s1], $0x20, s9, s1, $0xb8;
	[tilespmem:$0x12500] =	vst v63  }
0xfe: {  	s14 =	sand.u32 $0x70, s14;
	s9 =	simm.s32 @!p0 $0x180;
	s10 =	simm.s32 @!p0 $0x3400  }
0xff: {  	[tilespmem:s10], [sflag:$0x1] =	stream.indirect.gather @!p0 [hbm4b:s5+s1], $0x20, s9, s1, $0xb8;
	[tilespmem:$0x12500] =	vst v63  }
0x100: {  	s19 =	sand.u32 $0x70, s30;
	s22 =	sand.u32 $0x70, s22;
	v7 =	vmov s11;
	v8 =	vmov s12;
	s1 =	rddreg [dreg:$0x7]  }
0x101: {  	s26 =	simm.s32 $0x8;
	s25 =	sand.u32 $0x78, s25;
	v9 =	vmov s14;
	v10 =	vmov s19;
	v11 =	vmov s22;
	s1 =	sadd.s32 @!p0 s21, s1  }
0x102: {  	s28 =	simm.s32 $0x1;
	v12 =	vmov s25;
	s22 =	simm.s32 $0xE;
	v7 =	vshrl.u32 v7, $0x3;
	v8 =	vshrl.u32 v8, $0x3;
	s1 =	sshll.u32 @!p0 s1, $0x6  }
0x103: {  	s29 =	simm.s32 $0x2;
	s25 =	sand.u32 $0x78, s22;
	v9 =	vshrl.u32 v9, $0x3;
	v10 =	vshrl.u32 v10, $0x3;
	v11 =	vshrl.u32 v11, $0x3;
	s1 =	sand.u32 @!p0 $0xFFFFFC0, s1  }
0x104: {  	v12 =	vshrl.u32 v12, $0x3;
	v17 =	vmov s25;
	v7 =	vshll.u32 v7, v1;
	s9 =	simm.s32 @!p0 $0x200;
	s21 =	simm.s32 $0xB;
	s1 =	sadd.s32 @!p0 s4, s1  }
0x105: {  	v8 =	vshll.u32 v8, v1;
	v9 =	vshll.u32 v9, v1;
	v10 =	vshll.u32 v10, v1;
	[tilespmem:s9], [sflag:$0x4] =	stream.linear.gather @!p0 [hbm4b:s1+s8], $0x200, $0x38;
	[tilespmem:$0x12500] =	vst v63  }
0x106: {  	v11 =	vshll.u32 v11, v1;
	v12 =	vshll.u32 v12, v1;
	v8 =	vbroadcast v8, $0x0;
	s10 =	sand.u32 $0x70, s29;
	s30 =	sand.u32 $0x78, s21;
	p0 =	por p0, !p1  }
0x107: {  	v17 =	vshrl.u32 v17, $0x3;
	v10 =	vbroadcast v10, $0x0;
	v11 =	vbroadcast v11, $0x0;
	s9 =	simm.s32 $0x0;
	s1 =	sand.u32 $0x78, s26;
	_ =	swait.ge @p0 [sflag:s18], $0x1000  }
0x108: {  	v12 =	vbroadcast v12, $0x0;
	v17 =	vshll.u32 v17, v1;
	v6 =	vmov s10;
	s8 =	sand.u32 $0x70, s28;
	s26 =	simm.s32 $0xA;
	[sflag:s18] =	ssyncset.done @p0 $0x0  }
0x109: {  	v17 =	vbroadcast v17, $0x0;
	v6 =	vshrl.u32 v6, $0x3;
	v14 =	vmov s30;
	s28 =	simm.s32 $0xC;
	s31 =	sand.u32 $0x70, s9;
	[sflag:s18] =	ssyncadd.s32 @p0 $0xFFFFF000  }
0x10a: {  	v14 =	vshrl.u32 v14, $0x3;
	v4 =	vmov s1;
	v5 =	vmov s8;
	s29 =	sand.u32 $0x78, s26;
	s19 =	sand.u32 $0x78, s28;
	_ =	swait.ge @p0 [sflag:s18], $0x1000  }
0x10b: {  	v3 =	vmov s31;
	v13 =	vmov s29;
	v15 =	vmov s19;
	[sflag:s18] =	ssyncset.done @p0 $0x0  }
0x10c: {  	s31 =	simm.s32 $0xD;
	v4 =	vshrl.u32 v4, $0x3;
	v5 =	vshrl.u32 v5, $0x3;
	v3 =	vshrl.u32 v3, $0x3;
	[sflag:s18] =	ssyncadd.s32 @p0 $0xFFFFF000  }
0x10d: {  	s21 =	sand.u32 $0x78, s31;
	v18 =	vshll.u32 v5, v1;
	v4 =	vshll.u32 v4, v1;
	v5 =	vshrl.u32 v13, $0x3;
	_ =	swait.ge @p0 [sflag:s18], $0x1000  }
0x10e: {  	v13 =	vshll.u32 v6, v1;
	v16 =	vmov s21;
	v3 =	vshll.u32 v3, v1;
	[sflag:s18] =	ssyncset.done @p0 $0x0  }
0x10f: {  	s7 =	sadd.s32 s6, s7;
	s8 =	simm.s32 $0x0;
	v19 =	vshll.u32 v5, v1;
	v5 =	vbroadcast v4, $0x0;
	v4 =	vshll.u32 v14, v1;
	[sflag:s18] =	ssyncadd.s32 @p0 $0xFFFFF000  }
0x110: {  	s28 =	simm.s32 $0xF;
	s26 =	sand.u32 $0x18, s8;
	v14 =	vbroadcast v18, $0x0;
	v18 =	vbroadcast v7, $0x0;
	v16 =	vshrl.u32 v16, $0x3;
	_ =	swait.ge @p0 [sflag:s18], $0x1000  }
0x111: {  	s30 =	sshll.u32 s7, $0x2;
	s29 =	sand.u32 $0x78, s28;
	v6 =	vbroadcast v3, $0x0;
	v3 =	vmov s26;
	v7 =	vshll.u32 v16, v1;
	[sflag:s18] =	ssyncset.done @p0 $0x0  }
0x112: {  	s31 =	sand.u32 $0x3FFFFFE0, s30;
	v16 =	vbroadcast v9, $0x0;
	v9 =	vmul.u32 $0x88, v3;
	v3 =	vmov s29;
	[sflag:s18] =	ssyncadd.s32 @p0 $0xFFFFF000  }
0x113: {  	v15 =	vshrl.u32 v15, $0x3;
	v13 =	vbroadcast v13, $0x0;
	v20 =	vshrl.u32 v3, $0x3;
	v3 =	vld [tilespmem:s31+$0x10C00]  }
0x114: {  	s12 =	simm.s32 $0x4500;
	v22 =	vbroadcast v4, $0x0;
	v21 =	vbroadcast v9, $0x0;
	v9 =	vshll.u32 v20, v1;
	v4 =	vld [tilespmem:s31+$0x10C10]  }
0x115: {  	v15 =	vshll.u32 v15, v1;
	v19 =	vbroadcast v19, $0x0;
	v20 =	vbroadcast v9, $0x0;
	v24 =	vld [tilespmem:s12+$0xE0]  }
0x116: {  	v15 =	vbroadcast v15, $0x0;
	v23 =	vbroadcast v7, $0x0;
	v9 =	vadd.s32 v0, v21;
	v25 =	vld [tilespmem:s12+$0xF0]  }
0x117: {  	v7 =	vadd.s32 v2, v21;
	v21 =	vadd.s32 v14, v9;
	v26 =	vadd.s32 v20, v9;
	v27 =	vld [tilespmem:s12+$0xFFFFFF00]  }
0x118: {  	v14 =	vadd.s32 v14, v7;
	v20 =	vadd.s32 v20, v7;
	v29 =	vadd.s32 v13, v9;
	v28 =	vld [tilespmem:s12+$0xFFFFFF10]  }
0x119: {  	v30 =	vadd.s32 v13, v7;
	v32 =	vadd.s32 v18, v9;
	v18 =	vadd.s32 v18, v7;
	v31 =	vld [tilespmem:s12+$0xFFFFFF20]  }
0x11a: {  	v33 =	vadd.s32 v8, v9;
	v35 =	vadd.s32 v8, v7;
	v36 =	vadd.s32 v16, v9;
	v34 =	vld [tilespmem:s12+$0xFFFFFF30]  }
0x11b: {  	v16 =	vadd.s32 v16, v7;
	v38 =	vadd.s32 v10, v9;
	v40 =	vadd.s32 v10, v7;
	v37 =	vld [tilespmem:s12+$0xFFFFFF40]  }
0x11c: {  	v41 =	vadd.s32 v11, v9;
	v11 =	vadd.s32 v11, v7;
	v44 =	vadd.s32 v12, v9;
	v39 =	vld [tilespmem:s12+$0xFFFFFF50]  }
0x11d: {  	v12 =	vadd.s32 v12, v7;
	v46 =	vadd.s32 v19, v9;
	v19 =	vadd.s32 v19, v7;
	v43 =	vld [tilespmem:s12+$0xFFFFFF60]  }
0x11e: {  	v48 =	vadd.s32 v22, v9;
	v49 =	vadd.s32 v22, v7;
	v52 =	vadd.s32 v23, v9;
	v45 =	vld [tilespmem:s12+$0xFFFFFF70]  }
0x11f: {  	v26 =	vor.u32 $0x7, v26;
	v42 =	vor.u32 $0x1, v14;
	v14 =	vadd.s32 v23, v7;
	v23 =	vld [tilespmem:s12+$0xFFFFFFA0]  }
0x120: {  	v50 =	vadd.s32 v15, v9;
	v51 =	vadd.s32 v15, v7;
	v21 =	vor.u32 $0x1, v21;
	v47 =	vld [tilespmem:s12+$0xFFFFFF80]  }
0x121: {  	v15 =	vadd.s32 v17, v9;
	v13 =	vadd.s32 v17, v7;
	v36 =	vor.u32 $0x5, v36;
	v22 =	vld [tilespmem:s12+$0xFFFFFF90]  }
0x122: {  	v20 =	vor.u32 $0x7, v20;
	v55 =	vor.u32 $0x3, v32;
	v63 =	vld [tilespmem:s12+$0x20];
	v24 =	vadd.f32 v24, v3  }
0x123: {  	v18 =	vor.u32 $0x3, v18;
	v57 =	vld [tilespmem:s12+$0xFFFFFFE0];
	v8 =	vadd.f32 v27, v3;
	v17 =	vadd.f32 v31, v3  }
0x124: {  	v10 =	vadd.f32 v28, v4;
	v27 =	vor.u32 $0x2, v29;
	v28 =	vld [tilespmem:s12+$0xFFFFFFB0];
	v59 =	vadd.f32 v23, v3;
	[tilespmem:v26+s16+$0x0] =	vst.idx.msk $0xffff, v24  }
0x125: {  	v35 =	vor.u32 $0x4, v35;
	v25 =	vadd.f32 v25, v4;
	v29 =	vor.u32 $0x2, v30;
	v30 =	vld [tilespmem:s12+$0xFFFFFFC0];
	[tilespmem:v21+s16+$0x0] =	vst.idx.msk $0xffff, v17  }
0x126: {  	v61 =	vld [tilespmem:s12+$0x0];
	v58 =	vadd.f32 v22, v4;
	v22 =	vor.u32 $0x4, v33;
	v24 =	vadd.f32 v34, v4;
	[tilespmem:v36+s16+$0x0] =	vst.idx.msk $0xffff, v59  }
0x127: {  	v16 =	vor.u32 $0x5, v16;
	v23 =	vld [tilespmem:s12+$0xFFFFFFF0];
	v33 =	vadd.f32 v63, v3;
	v26 =	vadd.f32 v37, v3;
	[tilespmem:v20+s16+$0x0] =	vst.idx.msk $0xffff, v25  }
0x128: {  	v32 =	vor.u32 $0x6, v38;
	v62 =	vld [tilespmem:s12+$0x10];
	v17 =	vadd.f32 v45, v4;
	v25 =	vadd.f32 v43, v3;
	[tilespmem:v42+s16+$0x0] =	vst.idx.msk $0xffff, v24  }
0x129: {  	v56 =	vld [tilespmem:s12+$0xFFFFFFD0];
	v21 =	vadd.f32 v47, v3;
	v20 =	vadd.f32 v39, v4;
	v24 =	vor.u32 $0x1, v44;
	[tilespmem:v27+s16+$0x0] =	vst.idx.msk $0xffff, v26  }
0x12a: {  	v60 =	vadd.f32 v28, v4;
	v31 =	vadd.f32 v30, v3;
	[tilespmem:v55+s16+$0x0] =	vst.idx.msk $0xffff, v25;
	v30 =	vor.u32 $0x6, v40  }
0x12b: {  	v38 =	vld [tilespmem:s12+$0x30];
	v26 =	vor.u32 $0x7, v41;
	v28 =	vadd.f32 v57, v3;
	v25 =	vor.u32 $0x7, v11;
	[tilespmem:v22+s16+$0x0] =	vst.idx.msk $0xffff, v21  }
0x12c: {  	v37 =	vld [tilespmem:s12+$0x40];
	v27 =	vadd.f32 v23, v4;
	v23 =	vor.u32 $0x1, v12;
	v22 =	vor.u32 $0x2, v46;
	[tilespmem:v29+s16+$0x0] =	vst.idx.msk $0xffff, v20  }
0x12d: {  	v34 =	vld [tilespmem:s12+$0x50];
	v11 =	vadd.f32 v61, v3;
	v21 =	vor.u32 $0x2, v19;
	v12 =	vadd.f32 v62, v4;
	[tilespmem:v18+s16+$0x0] =	vst.idx.msk $0xffff, v17  }
0x12e: {  	v19 =	vor.u32 $0x3, v49;
	v29 =	vadd.f32 v56, v4;
	[tilespmem:v35+s16+$0x0] =	vst.idx.msk $0xffff, v58;
	v20 =	vor.u32 $0x3, v48;
	v35 =	vld [tilespmem:s12+$0x60]  }
0x12f: {  	s14 =	sshrl.u32 s7, $0x3;
	v36 =	vld [tilespmem:s12+$0x70];
	v17 =	vor.u32 $0x4, v50;
	v18 =	vor.u32 $0x4, v51;
	[tilespmem:v16+s16+$0x0] =	vst.idx.msk $0xffff, v60;
	v16 =	vor.u32 $0x5, v52  }
.LBB2_16:
0x130: {  	s1 =	sadd.s32 $0x18, s9;
	[tilespmem:v32+s16+$0x0] =	vst.idx.msk $0xffff, v31;
	v31 =	vadd.f32 v38, v4;
	v32 =	vld [tilespmem:s12+$0x80];
	v14 =	vor.u32 $0x5, v14;
	v15 =	vor.u32 $0x6, v15;
	s19 =	smov.u32 s9;
	s9 =	sadd.s32 $0x10, s9  }
0x131: {  	v38 =	vadd.s32 v6, v9;
	v13 =	vor.u32 $0x6, v13;
	s10 =	sadd.s32 $0x11, s19;
	s11 =	sadd.s32 $0x12, s19;
	s21 =	sadd.s32 $0x13, s19;
	[tilespmem:v30+s16+$0x0] =	vst.idx.msk $0xffff, v29;
	v29 =	vadd.f32 v37, v3;
	v30 =	vld [tilespmem:s12+$0x90]  }
0x132: {  	v6 =	vadd.s32 v6, v7;
	v9 =	vadd.s32 v5, v9;
	s22 =	sadd.s32 $0x14, s19;
	s25 =	sadd.s32 $0x15, s19;
	s26 =	sadd.s32 $0x16, s19;
	v34 =	vadd.f32 v34, v4;
	v37 =	vld [tilespmem:s12+$0xA0]  }
0x133: {  	v7 =	vadd.s32 v5, v7;
	s28 =	sand.u32 $0x70, s9;
	s29 =	sadd.s32 $0x17, s19;
	s1 =	sand.u32 $0x78, s1;
	[tilespmem:v26+s16+$0x0] =	vst.idx.msk $0xffff, v28;
	v5 =	vadd.f32 v35, v3;
	v26 =	vld [tilespmem:s12+$0xB0]  }
0x134: {  	s10 =	sand.u32 $0x70, s10;
	s11 =	sand.u32 $0x70, s11;
	v28 =	vmov s28;
	v35 =	vmov s1;
	s1 =	sadd.s32 $0x19, s19;
	[tilespmem:v25+s16+$0x0] =	vst.idx.msk $0xffff, v27;
	v25 =	vadd.f32 v36, v4;
	v27 =	vld [tilespmem:s12+$0xC0]  }
0x135: {  	v39 =	vmov s11;
	s11 =	sand.u32 $0x70, s22;
	v36 =	vmov s10;
	s10 =	sand.u32 $0x70, s21;
	s21 =	sadd.s32 $0x1A, s19;
	[tilespmem:v24+s16+$0x0] =	vst.idx.msk $0xffff, v33;
	v24 =	vadd.f32 v32, v3;
	v32 =	vld [tilespmem:s12+$0xD0]  }
0x136: {  	s22 =	sadd.s32 $0x1B, s19;
	v40 =	vmov s11;
	s11 =	sand.u32 $0x70, s26;
	v33 =	vmov s10;
	s10 =	sand.u32 $0x70, s25;
	[tilespmem:v23+s16+$0x0] =	vst.idx.msk $0xffff, v31;
	v23 =	vadd.f32 v30, v4  }
0x137: {  	s1 =	sand.u32 $0x78, s1;
	v30 =	vmov s10;
	v31 =	vmov s11;
	s10 =	sand.u32 $0x70, s29;
	s11 =	sadd.s32 $0x1C, s19;
	[tilespmem:v22+s16+$0x0] =	vst.idx.msk $0xffff, v29;
	v22 =	vadd.f32 v37, v3  }
0x138: {  	v29 =	vmov s10;
	v37 =	vmov s1;
	s1 =	sand.u32 $0x78, s21;
	s10 =	sand.u32 $0x78, s22;
	s21 =	sadd.s32 $0x1D, s19;
	[tilespmem:v21+s16+$0x0] =	vst.idx.msk $0xffff, v34;
	v21 =	vadd.f32 v26, v4  }
0x139: {  	v26 =	vmov s1;
	v34 =	vmov s10;
	s1 =	sand.u32 $0x78, s11;
	s10 =	sand.u32 $0x78, s21;
	s11 =	sadd.s32 $0x1E, s19;
	[tilespmem:v20+s16+$0x0] =	vst.idx.msk $0xffff, v5;
	v5 =	vadd.f32 v27, v3  }
0x13a: {  	p0 =	slt.u32 s9, $0x1F0;
	v20 =	vmov s1;
	v27 =	vmov s10;
	s1 =	sand.u32 $0x78, s11;
	[tilespmem:v19+s16+$0x0] =	vst.idx.msk $0xffff, v25;
	v19 =	vadd.f32 v32, v4  }
0x13b: {  	v25 =	vshrl.u32 v28, $0x3;
	v28 =	vshrl.u32 v35, $0x3;
	v32 =	vmov s1;
	[tilespmem:v17+s16+$0x0] =	vst.idx.msk $0xffff, v24  }
0x13c: {  	v33 =	vshrl.u32 v33, $0x3;
	v17 =	vshrl.u32 v36, $0x3;
	v24 =	vshrl.u32 v39, $0x3;
	[tilespmem:v18+s16+$0x0] =	vst.idx.msk $0xffff, v23  }
0x13d: {  	v18 =	vshrl.u32 v40, $0x3;
	v23 =	vshrl.u32 v30, $0x3;
	v30 =	vshrl.u32 v31, $0x3;
	[tilespmem:v16+s16+$0x0] =	vst.idx.msk $0xffff, v22  }
0x13e: {  	v16 =	vshll.u32 v25, v1;
	v22 =	vshrl.u32 v29, $0x3;
	v25 =	vshrl.u32 v37, $0x3;
	[tilespmem:v14+s16+$0x0] =	vst.idx.msk $0xffff, v21  }
0x13f: {  	v14 =	vshll.u32 v17, v1;
	v17 =	vshll.u32 v28, v1;
	v21 =	vshrl.u32 v26, $0x3;
	[tilespmem:v15+s16+$0x0] =	vst.idx.msk $0xffff, v5  }
0x140: {  	v26 =	vshrl.u32 v34, $0x3;
	v15 =	vshll.u32 v24, v1;
	v24 =	vshll.u32 v33, v1;
	[tilespmem:v13+s16+$0x0] =	vst.idx.msk $0xffff, v19  }
0x141: {  	v13 =	vshll.u32 v18, v1;
	v18 =	vshll.u32 v23, v1;
	v19 =	vshrl.u32 v20, $0x3;
	[tilespmem:v38+s16+$0x0] =	vst.idx.msk $0xffff, v8  }
0x142: {  	v20 =	vshll.u32 v22, v1;
	v22 =	vshrl.u32 v27, $0x3;
	v8 =	vshll.u32 v30, v1;
	[tilespmem:v6+s16+$0x0] =	vst.idx.msk $0xffff, v10  }
0x143: {  	v21 =	vshll.u32 v21, v1;
	v23 =	vshrl.u32 v32, $0x3;
	v10 =	vshll.u32 v25, v1;
	[tilespmem:v9+s16+$0x0] =	vst.idx.msk $0xffff, v11  }
0x144: {  	v5 =	vbroadcast v17, $0x0;
	v6 =	vbroadcast v16, $0x0;
	v9 =	vshll.u32 v26, v1;
	[tilespmem:v7+s16+$0x0] =	vst.idx.msk $0xffff, v12  }
0x145: {  	s8 =	sadd.s32 $0x1, s8;
	v11 =	vbroadcast v14, $0x0;
	v12 =	vbroadcast v15, $0x0;
	v7 =	vshll.u32 v19, v1  }
0x146: {  	s10 =	sadd.s32 $0x1F, s19;
	s1 =	sand.u32 $0x18, s8;
	v13 =	vbroadcast v13, $0x0;
	v14 =	vbroadcast v24, $0x0;
	v15 =	vshll.u32 v22, v1  }
0x147: {  	v17 =	vbroadcast v18, $0x0;
	v16 =	vmov s1;
	v8 =	vbroadcast v8, $0x0;
	s1 =	sand.u32 $0x78, s10  }
0x148: {  	v18 =	vbroadcast v20, $0x0;
	v16 =	vmul.u32 $0x88, v16;
	v19 =	vmov s1  }
0x149: {  	v20 =	vbroadcast v21, $0x0;
	v10 =	vbroadcast v10, $0x0;
	v19 =	vshrl.u32 v19, $0x3  }
0x14a: {  	v21 =	vbroadcast v9, $0x0;
	v16 =	vbroadcast v16, $0x0;
	v9 =	vshll.u32 v19, v1  }
0x14b: {  	s12 =	sadd.s32 $0x200, s12;
	v19 =	vbroadcast v7, $0x0;
	v7 =	vshll.u32 v23, v1;
	v22 =	vbroadcast v9, $0x0  }
0x14c: {  	v15 =	vbroadcast v15, $0x0;
	v9 =	vadd.s32 v0, v16;
	v23 =	vbroadcast v7, $0x0;
	v24 =	vld [tilespmem:s12+$0xE0]  }
0x14d: {  	v7 =	vadd.s32 v2, v16;
	v16 =	vadd.s32 v11, v9;
	v26 =	vadd.s32 v22, v9;
	v25 =	vld [tilespmem:s12+$0xF0]  }
0x14e: {  	v11 =	vadd.s32 v11, v7;
	v22 =	vadd.s32 v22, v7;
	v26 =	vor.u32 $0x7, v26;
	v27 =	vld [tilespmem:s12+$0xFFFFFF00]  }
0x14f: {  	v29 =	vadd.s32 v12, v9;
	v12 =	vadd.s32 v12, v7;
	v22 =	vor.u32 $0x7, v22;
	v28 =	vld [tilespmem:s12+$0xFFFFFF10]  }
0x150: {  	v31 =	vadd.s32 v14, v9;
	v32 =	vadd.s32 v14, v7;
	v33 =	vadd.s32 v13, v9;
	v30 =	vld [tilespmem:s12+$0xFFFFFF20]  }
0x151: {  	v35 =	vadd.s32 v13, v7;
	v36 =	vadd.s32 v17, v9;
	v34 =	vld [tilespmem:s12+$0xFFFFFF30];
	v13 =	vadd.f32 v24, v3  }
0x152: {  	v17 =	vadd.s32 v17, v7;
	v37 =	vadd.s32 v8, v9;
	v24 =	vld [tilespmem:s12+$0xFFFFFF40];
	v14 =	vadd.f32 v25, v4  }
0x153: {  	v38 =	vadd.s32 v8, v7;
	v39 =	vadd.s32 v18, v9;
	v16 =	vor.u32 $0x1, v16;
	v25 =	vld [tilespmem:s12+$0xFFFFFF50];
	[tilespmem:v26+s16+$0x0] =	vst.idx.msk $0xffff, v13  }
0x154: {  	v18 =	vadd.s32 v18, v7;
	v40 =	vadd.s32 v10, v9;
	v11 =	vor.u32 $0x1, v11;
	v26 =	vld [tilespmem:s12+$0xFFFFFF60];
	[tilespmem:v22+s16+$0x0] =	vst.idx.msk $0xffff, v14  }
0x155: {  	v41 =	vadd.s32 v10, v7;
	v42 =	vadd.s32 v20, v9;
	v20 =	vadd.s32 v20, v7;
	v22 =	vld [tilespmem:s12+$0xFFFFFF70]  }
0x156: {  	v44 =	vadd.s32 v21, v9;
	v45 =	vadd.s32 v21, v7;
	v46 =	vadd.s32 v19, v9;
	v43 =	vld [tilespmem:s12+$0xFFFFFF80]  }
0x157: {  	v47 =	vadd.s32 v19, v7;
	v48 =	vadd.s32 v15, v9;
	v14 =	vadd.s32 v15, v7;
	v21 =	vld [tilespmem:s12+$0xFFFFFF90]  }
0x158: {  	v8 =	vadd.f32 v27, v3;
	v13 =	vadd.s32 v23, v7;
	v15 =	vadd.s32 v23, v9;
	v19 =	vld [tilespmem:s12+$0xFFFFFFA0]  }
0x159: {  	v27 =	vor.u32 $0x2, v29;
	v10 =	vadd.f32 v28, v4;
	v23 =	vadd.f32 v30, v3;
	v28 =	vld [tilespmem:s12+$0xFFFFFFB0]  }
0x15a: {  	v12 =	vor.u32 $0x2, v12;
	v29 =	vadd.f32 v34, v4;
	v24 =	vadd.f32 v24, v3;
	v30 =	vld [tilespmem:s12+$0xFFFFFFC0]  }
0x15b: {  	[tilespmem:v16+s16+$0x0] =	vst.idx.msk $0xffff, v23;
	v16 =	vadd.f32 v25, v4;
	v23 =	vadd.f32 v26, v3;
	v25 =	vor.u32 $0x3, v31;
	v26 =	vld [tilespmem:s12+$0xFFFFFFD0]  }
0x15c: {  	v34 =	vadd.f32 v43, v3;
	[tilespmem:v11+s16+$0x0] =	vst.idx.msk $0xffff, v29;
	v11 =	vadd.f32 v22, v4;
	v22 =	vor.u32 $0x3, v32;
	v43 =	vld [tilespmem:s12+$0xFFFFFFE0]  }
0x15d: {  	v33 =	vor.u32 $0x4, v33;
	v21 =	vadd.f32 v21, v4;
	v19 =	vadd.f32 v19, v3;
	v49 =	vld [tilespmem:s12+$0xFFFFFFF0]  }
0x15e: {  	v35 =	vor.u32 $0x4, v35;
	v36 =	vor.u32 $0x5, v36;
	[tilespmem:v27+s16+$0x0] =	vst.idx.msk $0xffff, v24;
	v50 =	vadd.f32 v28, v4;
	v51 =	vld [tilespmem:s12+$0x0]  }
0x15f: {  	v32 =	vor.u32 $0x6, v37;
	[tilespmem:v12+s16+$0x0] =	vst.idx.msk $0xffff, v16;
	v16 =	vor.u32 $0x5, v17;
	v31 =	vadd.f32 v30, v3;
	v12 =	vld [tilespmem:s12+$0x10]  }
0x160: {  	v30 =	vor.u32 $0x6, v38;
	[tilespmem:v25+s16+$0x0] =	vst.idx.msk $0xffff, v23;
	v29 =	vadd.f32 v26, v4;
	v26 =	vor.u32 $0x7, v39;
	v39 =	vld [tilespmem:s12+$0x20]  }
.Ltmp7:
0x161: {  	v24 =	vor.u32 $0x1, v40;
	v25 =	vor.u32 $0x7, v18;
	[tilespmem:v22+s16+$0x0] =	vst.idx.msk $0xffff, v11;
	v28 =	vadd.f32 v43, v3;
	v38 =	vld [tilespmem:s12+$0x30];
	(pc) =	sbr.rel @p0 .LBB2_16-.Ltmp7, $4  }
0x162: {  	v23 =	vor.u32 $0x1, v41;
	v22 =	vor.u32 $0x2, v42;
	[tilespmem:v33+s16+$0x0] =	vst.idx.msk $0xffff, v34;
	v27 =	vadd.f32 v49, v4;
	v37 =	vld [tilespmem:s12+$0x40]  }
0x163: {  	[tilespmem:v35+s16+$0x0] =	vst.idx.msk $0xffff, v21;
	v11 =	vadd.f32 v51, v3;
	v34 =	vld [tilespmem:s12+$0x50];
	v21 =	vor.u32 $0x2, v20;
	v20 =	vor.u32 $0x3, v44  }
0x164: {  	v17 =	vor.u32 $0x4, v46;
	[tilespmem:v36+s16+$0x0] =	vst.idx.msk $0xffff, v19;
	v12 =	vadd.f32 v12, v4;
	v35 =	vld [tilespmem:s12+$0x60];
	v19 =	vor.u32 $0x3, v45  }
0x165: {  	v18 =	vor.u32 $0x4, v47;
	[tilespmem:v16+s16+$0x0] =	vst.idx.msk $0xffff, v50;
	v33 =	vadd.f32 v39, v3;
	v36 =	vld [tilespmem:s12+$0x70];
	v16 =	vor.u32 $0x5, v48  }
0x166: {  	_ =	sdelay $0x3  }
0x167: {  	[tilespmem:v32+s16+$0x0] =	vst.idx.msk $0xffff, v31  }
0x168: {  	[tilespmem:v26+s16+$0x0] =	vst.idx.msk $0xffff, v28  }
0x169: {  	[tilespmem:v30+s16+$0x0] =	vst.idx.msk $0xffff, v29  }
0x16a: {  	v44 =	vadd.f32 v38, v4;
	[tilespmem:v25+s16+$0x0] =	vst.idx.msk $0xffff, v27  }
0x16b: {  	v58 =	vadd.s32 v6, v9;
	v46 =	vadd.f32 v37, v3;
	[tilespmem:v24+s16+$0x0] =	vst.idx.msk $0xffff, v33  }
0x16c: {  	v61 =	vadd.s32 v5, v9;
	v48 =	vadd.f32 v34, v4;
	[tilespmem:v23+s16+$0x0] =	vst.idx.msk $0xffff, v44  }
0x16d: {  	v50 =	vadd.f32 v35, v3;
	[tilespmem:v22+s16+$0x0] =	vst.idx.msk $0xffff, v46  }
0x16e: {  	v45 =	vld [tilespmem:s12+$0x80];
	v60 =	vadd.s32 v6, v7;
	[tilespmem:v21+s16+$0x0] =	vst.idx.msk $0xffff, v48  }
0x16f: {  	v49 =	vld [tilespmem:s12+$0xA0];
	v63 =	vadd.s32 v5, v7;
	[tilespmem:v20+s16+$0x0] =	vst.idx.msk $0xffff, v50  }
0x170: {  	v53 =	vld [tilespmem:s12+$0xC0];
	v52 =	vadd.f32 v36, v4;
	[tilespmem:v58+s16+$0x0] =	vst.idx.msk $0xffff, v8  }
0x171: {  	v47 =	vld [tilespmem:s12+$0x90];
	[tilespmem:v61+s16+$0x0] =	vst.idx.msk $0xffff, v11  }
0x172: {  	v51 =	vld [tilespmem:s12+$0xB0];
	v15 =	vor.u32 $0x6, v15;
	[tilespmem:v19+s16+$0x0] =	vst.idx.msk $0xffff, v52  }
0x173: {  	v55 =	vld [tilespmem:s12+$0xD0];
	v54 =	vadd.f32 v45, v3;
	[tilespmem:v60+s16+$0x0] =	vst.idx.msk $0xffff, v10  }
0x174: {  	v14 =	vor.u32 $0x5, v14;
	v57 =	vadd.f32 v49, v3;
	[tilespmem:v63+s16+$0x0] =	vst.idx.msk $0xffff, v12  }
0x175: {  	v13 =	vor.u32 $0x6, v13;
	s1 =	sshll.u32 s7, $0xC;
	v3 =	vadd.f32 v53, v3;
	[tilespmem:v17+s16+$0x0] =	vst.idx.msk $0xffff, v54  }
0x176: {  	s31 =	sshll.u32 s14, $0x11;
	s1 =	sand.u32 $0x7000, s1;
	v56 =	vadd.f32 v47, v4;
	[tilespmem:v16+s16+$0x0] =	vst.idx.msk $0xffff, v57  }
0x177: {  	s1 =	sor.u32 s1, s31;
	v59 =	vadd.f32 v51, v4;
	[tilespmem:v15+s16+$0x0] =	vst.idx.msk $0xffff, v3  }
0x178: {  	s7 =	sshrl.u32 s1, $0x3;
	v62 =	vadd.f32 v55, v4;
	[tilespmem:v18+s16+$0x0] =	vst.idx.msk $0xffff, v56  }
0x179: {  	s9 =	simm.s32 $0xC800;
	s8 =	sadd.s32 s2, s7;
	[tilespmem:v14+s16+$0x0] =	vst.idx.msk $0xffff, v59  }
0x17a: {  	s12 =	simm.s32 $0x10;
	s14 =	simm.s32 $0xC888;
	s19 =	sadd.s32 $0x0, s8;
	[tilespmem:v13+s16+$0x0] =	vst.idx.msk $0xffff, v62  }
.LBB2_18:
0x17b: {  	[hbm4b:s19+s3] =	stream.linear.scatter [tilespmem:s9], [sflag:$0x6], $0x80, $0x38;
	[tilespmem:$0x12500] =	vst v63  }
0x17c: {  	s1 =	smov.u32 s12;
	s9 =	smov.u32 s14;
	p0 =	sne.s32 s12, $0x1F0  }
.Ltmp8:
0x17d: {  	s12 =	sadd.s32 $0x10, s12;
	(pc) =	sbr.rel @p0 .LBB2_18-.Ltmp8, $2  }
0x17e: {  	_ =	sdelay $0x2  }
0x17f: {  	s14 =	sadd.s32 $0x88, s14;
	s19 =	sadd.s32 s1, s8  }
0x180: {  	[hbm4b:s19+s3] =	stream.linear.scatter [tilespmem:s9], [sflag:$0x6], $0x80, $0x38;
	[tilespmem:$0x12500] =	vst v63  }
0x181: {  	s7 =	sadd.s32 s7, s2  }
0x182: {  	s9 =	simm.s32 $0xD900;
	s8 =	sadd.s32 $0x1000, s7  }
0x183: {  	s12 =	simm.s32 $0x10;
	s14 =	simm.s32 $0xD988;
	s19 =	sadd.s32 $0x0, s8  }
.LBB2_20:
0x184: {  	[hbm4b:s19+s3] =	stream.linear.scatter [tilespmem:s9], [sflag:$0x6], $0x80, $0x38;
	[tilespmem:$0x12500] =	vst v63  }
0x185: {  	s1 =	smov.u32 s12;
	s9 =	smov.u32 s14;
	p0 =	sne.s32 s12, $0x1F0  }
.Ltmp9:
0x186: {  	s12 =	sadd.s32 $0x10, s12;
	(pc) =	sbr.rel @p0 .LBB2_20-.Ltmp9, $2  }
0x187: {  	_ =	sdelay $0x2  }
0x188: {  	s14 =	sadd.s32 $0x88, s14;
	s19 =	sadd.s32 s1, s8  }
0x189: {  	[hbm4b:s19+s3] =	stream.linear.scatter [tilespmem:s9], [sflag:$0x6], $0x80, $0x38;
	[tilespmem:$0x12500] =	vst v63  }
0x18a: {  	s8 =	sadd.s32 $0x2000, s7;
	s9 =	simm.s32 $0xEA00  }
0x18b: {  	s12 =	simm.s32 $0x10;
	s14 =	simm.s32 $0xEA88;
	s19 =	sadd.s32 $0x0, s8  }
.LBB2_22:
0x18c: {  	[hbm4b:s19+s3] =	stream.linear.scatter [tilespmem:s9], [sflag:$0x6], $0x80, $0x38;
	[tilespmem:$0x12500] =	vst v63  }
0x18d: {  	s1 =	smov.u32 s12;
	s9 =	smov.u32 s14;
	p0 =	sne.s32 s12, $0x1F0  }
.Ltmp10:
0x18e: {  	s12 =	sadd.s32 $0x10, s12;
	(pc) =	sbr.rel @p0 .LBB2_22-.Ltmp10, $2  }
0x18f: {  	_ =	sdelay $0x2  }
0x190: {  	s14 =	sadd.s32 $0x88, s14;
	s19 =	sadd.s32 s1, s8  }
0x191: {  	[hbm4b:s19+s3] =	stream.linear.scatter [tilespmem:s9], [sflag:$0x6], $0x80, $0x38;
	[tilespmem:$0x12500] =	vst v63  }
0x192: {  	s7 =	sadd.s32 $0x3000, s7;
	s8 =	simm.s32 $0xFB00  }
0x193: {  	s9 =	simm.s32 $0x10;
	s12 =	simm.s32 $0xFB88;
	s14 =	sadd.s32 $0x0, s7  }
.LBB2_24:
0x194: {  	[hbm4b:s14+s3] =	stream.linear.scatter [tilespmem:s8], [sflag:$0x6], $0x80, $0x38;
	[tilespmem:$0x12500] =	vst v63  }
0x195: {  	s1 =	smov.u32 s9;
	s8 =	smov.u32 s12;
	p0 =	sne.s32 s9, $0x1F0  }
.Ltmp11:
0x196: {  	s9 =	sadd.s32 $0x10, s9;
	(pc) =	sbr.rel @p0 .LBB2_24-.Ltmp11, $2  }
0x197: {  	_ =	sdelay $0x2  }
0x198: {  	s12 =	sadd.s32 $0x88, s12;
	s14 =	sadd.s32 s1, s7  }
0x199: {  	s20 =	sadd.s32 $0x1, s20  }
0x19a: {  	p0 =	sne.s32 s20, $0x19  }
.Ltmp12:
0x19b: {  	_ = 	snop;
	(pc) =	sbr.rel @p0 .LBB2_2-.Ltmp12, $2  }
0x19c: {  	_ =	sdelay $0x2  }
0x19d: {  	[hbm4b:s14+s3] =	stream.linear.scatter [tilespmem:s8], [sflag:$0x6], $0x80, $0x38;
	[tilespmem:$0x12500] =	vst v63  }
0x19e: {  	_ =	swait.ge [sflag:s17], $0x1000  }
0x19f: {  	[sflag:s17] =	ssyncset.done $0x0  }
0x1a0: {  	[sflag:s17] =	ssyncadd.s32 $0xFFFFF000  }
0x1a1: {  	_ =	swait.ge [sflag:s17], $0x1000  }
0x1a2: {  	[sflag:s17] =	ssyncset.done $0x0  }
0x1a3: {  	[sflag:s17] =	ssyncadd.s32 $0xFFFFF000  }
0x1a4: {  	_ =	swait.ge [sflag:s17], $0x1000  }
0x1a5: {  	[sflag:s17] =	ssyncset.done $0x0  }
0x1a6: {  	[sflag:s17] =	ssyncadd.s32 $0xFFFFF000  }
0x1a7: {  	_ =	swait.ge [sflag:s17], $0x1000  }
0x1a8: {  	[sflag:s17] =	ssyncset.done $0x0  }
0x1a9: {  	[sflag:s17] =	ssyncadd.s32 $0xFFFFF000  }
0x1aa: {  	_ =	swait.ge [sflag:s18], $0x1000  }
0x1ab: {  	[sflag:s18] =	ssyncset.done $0x0  }
0x1ac: {  	[sflag:s18] =	ssyncadd.s32 $0xFFFFF000  }
0x1ad: {  	_ =	swait.ge [sflag:s18], $0x1000  }
0x1ae: {  	[sflag:s18] =	ssyncset.done $0x0  }
0x1af: {  	[sflag:s18] =	ssyncadd.s32 $0xFFFFF000  }
0x1b0: {  	_ =	swait.ge [sflag:s18], $0x1000  }
0x1b1: {  	[sflag:s18] =	ssyncset.done $0x0  }
0x1b2: {  	[sflag:s18] =	ssyncadd.s32 $0xFFFFF000  }
0x1b3: {  	_ =	swait.ge [sflag:s18], $0x1000  }
0x1b4: {  	s7 =	rddreg [dreg:$0x9]  }
0x1b5: {  	s1 =	rddreg [dreg:$0x8];
	s7 =	sadd.s32 $0x1, s7  }
0x1b6: {  	p0 =	sne.s32 s7, s1  }
.Ltmp13:
0x1b7: {  	_ = 	snop;
	(pc) =	sbr.rel @p0 .LBB2_1-.Ltmp13, $3  }
0x1b8: {  	_ =	sdelay $0x1  }
0x1b9: {  	[sflag:s18] =	ssyncset.done $0x0  }
0x1ba: {  	[sflag:s18] =	ssyncadd.s32 $0xFFFFF000  }
0x1bb: {  	_ =	sfence.sel $0x180000  }
0x1bc: {  	[bflag:$0x0] =	sbarrier.arrive $0xFFFF  }
0x1bd: {  	_ =	strace $0x90000047  }
0x1be: {  	s0 =	stileid.u32;
	[bflag:$0x2] =	sbarrier.arrive $0xFFFF  }
0x1bf: {  	p0 =	sne.s32 s0, $0x0;
	s0 =	rddreg [dreg:$0x2]  }
0x1c0: {  	s0 =	sadd.s32 @!p0 $0x100000, s0  }
0x1c1: {  	[sflag:s0] =	ssyncadd.tile.s32 @!p0 $0x1;
	_ =	shalt  }
.Lfunc_end2:
_tile_overlayer_lowered:
.L_overlay_start_2:
0x1c2: {  	(tag) =	ssettag $0x2  }
0x1c3: {  	s0 =	rddreg [dreg:$0x0];
	s2 =	stileid.u32  }
0x1c4: {  	s1 =	rddreg [dreg:$0x1];
	p0 =	sne.s32 s2, $0x0  }
0x1c5: {  	s3 =	rddreg [dreg:$0x2];
	[bflag:$0x3] =	sbarrier.arrive $0xFFFF;
	s2 =	simm.s32 @!p0 $0x1C07  }
0x1c6: {  	[timem:s3], [sflag:s2] =	dma.local @!p0 [hbm:s0], s1  }
0x1c7: {  	s0 =	simm.s32 @!p0 $0x7  }
0x1c8: {  	_ =	swait.ge @!p0 [sflag:s0], s1  }
0x1c9: {  	s1 =	ssub.s32 @!p0 $0x0, s1;
	[sflag:s0] =	ssyncset.done @!p0 $0x0  }
0x1ca: {  	[sflag:s0] =	ssyncadd.s32 @!p0 s1  }
0x1cb: {  	[bflag:$0x3] =	sbarrier.arrive $0xFFFF  }
0x1cc: {  	_ =	shalt  }

</sc_bundles>
